<compile_context>
chip_gen: v7x
topology: tpu7x:2x2x1
jax: 0.10.2.dev20260603
libtpu: 0.0.44.dev20260713+nightly
codegen_flags: <defaults>
</compile_context>

<pallas_src>
import functools

import jax
import jax.numpy as jnp
from jax import lax
from jax.experimental import pallas as pl
from jax.experimental.pallas import tpu as pltpu
from jax.experimental.pallas import tpu_sc as plsc

VOCAB = 100000
EMBED_DIM = 128
NUM_CLASS = 4
BATCH = 4096
BAG_LEN = 50

LANES = 16
NUM_WORKERS = 32
BPW = BATCH // NUM_WORKERS

PACK = EMBED_DIM // LANES
EMB_BLOCK = 8192


def _proj_body(emb_ref, w_ref, out_ref):
    out_ref[:, 0:LANES] = jnp.dot(
        emb_ref[...], w_ref[...], preferred_element_type=jnp.float32
    )


def _project(emb_weight, w_pad):
    grid = (VOCAB + EMB_BLOCK - 1) // EMB_BLOCK
    return pl.pallas_call(
        _proj_body,
        grid=(grid,),
        in_specs=[
            pl.BlockSpec((EMB_BLOCK, EMBED_DIM), lambda i: (i, 0)),
            pl.BlockSpec((EMBED_DIM, LANES), lambda i: (0, 0)),
        ],
        out_specs=pl.BlockSpec((EMB_BLOCK, EMBED_DIM), lambda i: (i, 0)),
        out_shape=jax.ShapeDtypeStruct((VOCAB, EMBED_DIM), jnp.float32),
    )(emb_weight, w_pad)


_CHUNK = 25


def _bag_sum_body(p_hbm, idx_hbm, bias_hbm, out_hbm, idx_v, out_v, isem, sem):
    wid = lax.axis_index("s") * 2 + lax.axis_index("c")

    pltpu.async_copy(idx_hbm.at[wid], idx_v, isem)
    biascp = pltpu.make_async_copy(bias_hbm, out_v, sem)
    biascp.start()
    pltpu.make_async_copy(idx_hbm.at[wid], idx_v, isem).wait()
    biascp.wait()

    for k in range(_CHUNK):
        pltpu.async_copy(p_hbm.at[idx_v.at[k]], out_v, sem, add=True)

    @pl.loop(1, BAG_LEN // _CHUNK)
    def _round(ci):
        base = ci * _CHUNK
        for k in range(_CHUNK):
            pltpu.async_copy(
                p_hbm.at[idx_v.at[base + k]], out_v, sem, add=True
            )
        for _ in range(_CHUNK):
            pltpu.make_async_copy(p_hbm.at[idx_v.at[0]], out_v, sem).wait()

    for _ in range(_CHUNK):
        pltpu.make_async_copy(p_hbm.at[idx_v.at[0]], out_v, sem).wait()

    pltpu.sync_copy(out_v, out_hbm.at[pl.ds(wid * BPW, BPW)])


@functools.cache
def _bag_sum():
    mesh = plsc.VectorSubcoreMesh(
        core_axis_name="c", subcore_axis_name="s", num_cores=2, num_subcores=16
    )
    return pl.kernel(
        _bag_sum_body,
        out_type=jax.ShapeDtypeStruct((BATCH, LANES), jnp.float32),
        mesh=mesh,
        compiler_params=pltpu.CompilerParams(use_tc_tiling_on_sc=False),
        scratch_types=[
            pltpu.VMEM((BAG_LEN, BPW), jnp.int32),
            pltpu.VMEM((BPW, LANES), jnp.float32),
            pltpu.SemaphoreType.DMA,
            pltpu.SemaphoreType.DMA,
        ],
    )


def kernel(text, emb_weight, fc_w, fc_b):
    w_pad = (
        jnp.zeros((EMBED_DIM, LANES), jnp.float32)
        .at[:, :NUM_CLASS]
        .set(fc_w.T * (1.0 / BAG_LEN))
    )
    bias2d = jnp.broadcast_to(
        jnp.zeros((LANES,), jnp.float32).at[:NUM_CLASS].set(fc_b), (BPW, LANES)
    )
    tt = text * PACK
    idx = tt.reshape(NUM_WORKERS, BPW, BAG_LEN).transpose(0, 2, 1)

    p_wide = _project(emb_weight, w_pad)
    p = p_wide.reshape(VOCAB * PACK, LANES)
    out16 = _bag_sum()(p, idx, bias2d)
    return out16[:, :NUM_CLASS]

# --- scband reference (transcript-rebuilt; emitter-appended) ---
"""Pipeline reference for scband-text-classification-model-13426067768085 (READ-ONLY COPY).

The authoritative reference and input builder live on the scoring server;
editing this copy changes nothing except your own understanding.
"""

import jax, jax.numpy as jnp
import numpy as np

VOCAB = 100000
EMBED_DIM = 128
NUM_CLASS = 4
BATCH = 4096
BAG_LEN = 50


def setup_inputs(seed: int = 0) -> dict:
    key = jax.random.key(seed)
    k1, k2, k3 = jax.random.split(key, 3)
    text = jax.random.randint(k1, (BATCH, BAG_LEN), 0, VOCAB, dtype=jnp.int32)
    emb_weight = jax.random.uniform(k2, (VOCAB, EMBED_DIM), minval=-0.5, maxval=0.5, dtype=jnp.float32)
    fc_w = jax.random.uniform(k3, (NUM_CLASS, EMBED_DIM), minval=-0.5, maxval=0.5, dtype=jnp.float32)
    fc_b = jnp.zeros((NUM_CLASS,), dtype=jnp.float32)
    return {"text": text, "emb_weight": emb_weight, "fc_w": fc_w, "fc_b": fc_b}


def reference(text, emb_weight, fc_w, fc_b):
    # nn.EmbeddingBag with default mode='mean' over 2D input [B, L]:
    # gather rows then mean over the bag (L) dimension.
    embedded = jnp.take(emb_weight, text, axis=0)  # [B, L, D]
    embedded = jnp.mean(embedded, axis=1)          # [B, D]
    # nn.Linear: x @ W.T + b
    return embedded @ fc_w.T + fc_b                # [B, num_class]

if __name__ == "__main__":
    import jax
    _d = setup_inputs()
    print(jax.jit(kernel)(*tuple(_d.values())))

</pallas_src>

<mosaic_0001>
#map = affine_map<(d0, d1) -> (0, 0)>
#map1 = affine_map<(d0, d1) -> (0, 0, 0)>
module attributes {stable_mosaic.version = 14 : i64} {
  func.func @_bag_sum_body(%arg0: i32, %arg1: i32, %arg2: memref<800000x16xf32, #tpu.memory_space<hbm>>, %arg3: memref<32x50x128xi32, #tpu.memory_space<hbm>>, %arg4: memref<128x16xf32, #tpu.memory_space<hbm>>, %arg5: memref<4096x16xf32, #tpu.memory_space<hbm>>, %arg6: memref<50x128xi32, #tpu.memory_space<vmem>>, %arg7: memref<128x16xf32, #tpu.memory_space<vmem>>, %arg8: memref<!tpu.dma_semaphore, #tpu.memory_space<semaphore_mem>>, %arg9: memref<!tpu.dma_semaphore, #tpu.memory_space<semaphore_mem>>) attributes {dimension_semantics = [#tpu.dimension_semantics<core_parallel>, #tpu.dimension_semantics<subcore_parallel>], iteration_bounds = array<i64: 2, 16>, scalar_prefetch = 0 : i64, scratch_operands = 4 : i64, tpu.core_type = #tpu.core_type<sc_vector_subcore>, window_params = [{transform_indices = #map}, {transform_indices = #map1}, {transform_indices = #map}, {transform_indices = #map}]} {
    %mul3A = arith.constant 2 : i32
    %mul3A_0 = arith.muli %arg1, %mul3A : i32
    %add3A = arith.addi %mul3A_0, %arg0 : i32
    %dma_start3A = arith.constant 0 : i32
    %dma_start3A_1 = arith.constant 0 : i32
    %dma_start3A_2 = tpu.memref_slice %arg3[%add3A, %dma_start3A, %dma_start3A_1] : memref<32x50x128xi32, #tpu.memory_space<hbm>> -> memref<1x50x128xi32, #tpu.memory_space<hbm>>
    %dma_start3A_3 = tpu.memref_squeeze %dma_start3A_2 : memref<1x50x128xi32, #tpu.memory_space<hbm>> -> memref<50x128xi32, #tpu.memory_space<hbm>>
    %dma_start3A_4 = arith.constant 0 : i32
    %dma_start3A_5 = arith.constant 0 : i32
    %dma_start3A_6 = tpu.memref_slice %arg3[%add3A, %dma_start3A_4, %dma_start3A_5] : memref<32x50x128xi32, #tpu.memory_space<hbm>> -> memref<1x50x128xi32, #tpu.memory_space<hbm>>
    %dma_start3A_7 = tpu.memref_squeeze %dma_start3A_6 : memref<1x50x128xi32, #tpu.memory_space<hbm>> -> memref<50x128xi32, #tpu.memory_space<hbm>>
    tpu.enqueue_dma source(%dma_start3A_7 : memref<50x128xi32, #tpu.memory_space<hbm>>) target(%arg6 : memref<50x128xi32, #tpu.memory_space<vmem>>) target_semaphore(%arg8 : memref<!tpu.dma_semaphore, #tpu.memory_space<semaphore_mem>>)
    tpu.enqueue_dma source(%arg4 : memref<128x16xf32, #tpu.memory_space<hbm>>) target(%arg7 : memref<128x16xf32, #tpu.memory_space<vmem>>) target_semaphore(%arg9 : memref<!tpu.dma_semaphore, #tpu.memory_space<semaphore_mem>>)
    %dma_wait3A = arith.constant 0 : i32
    %dma_wait3A_8 = arith.constant 0 : i32
    %dma_wait3A_9 = tpu.memref_slice %arg3[%add3A, %dma_wait3A, %dma_wait3A_8] : memref<32x50x128xi32, #tpu.memory_space<hbm>> -> memref<1x50x128xi32, #tpu.memory_space<hbm>>
    %dma_wait3A_10 = tpu.memref_squeeze %dma_wait3A_9 : memref<1x50x128xi32, #tpu.memory_space<hbm>> -> memref<50x128xi32, #tpu.memory_space<hbm>>
    %dma_wait3A_11 = arith.constant 0 : i32
    %dma_wait3A_12 = arith.constant 0 : i32
    %dma_wait3A_13 = tpu.memref_slice %arg3[%add3A, %dma_wait3A_11, %dma_wait3A_12] : memref<32x50x128xi32, #tpu.memory_space<hbm>> -> memref<1x50x128xi32, #tpu.memory_space<hbm>>
    %dma_wait3A_14 = tpu.memref_squeeze %dma_wait3A_13 : memref<1x50x128xi32, #tpu.memory_space<hbm>> -> memref<50x128xi32, #tpu.memory_space<hbm>>
    tpu.wait_dma2 semaphore(%arg8 : memref<!tpu.dma_semaphore, #tpu.memory_space<semaphore_mem>>) src(%dma_wait3A_14 : memref<50x128xi32, #tpu.memory_space<hbm>>) dst(%arg6 : memref<50x128xi32, #tpu.memory_space<vmem>>)
    tpu.wait_dma2 semaphore(%arg9 : memref<!tpu.dma_semaphore, #tpu.memory_space<semaphore_mem>>) src(%arg4 : memref<128x16xf32, #tpu.memory_space<hbm>>) dst(%arg7 : memref<128x16xf32, #tpu.memory_space<vmem>>)
    %dma_start3A_15 = arith.constant 0 : i32
    %dma_start3A_16 = arith.constant 0 : i32
    %dma_start3A_17 = tpu.memref_slice %arg6[%dma_start3A_15, %dma_start3A_16] : memref<50x128xi32, #tpu.memory_space<vmem>> -> memref<1x128xi32, #tpu.memory_space<vmem>>
    %dma_start3A_18 = tpu.memref_squeeze %dma_start3A_17 : memref<1x128xi32, #tpu.memory_space<vmem>> -> memref<128xi32, #tpu.memory_space<vmem>>
    %dma_start3A_19 = arith.constant 0 : i32
    %dma_start3A_20 = arith.constant 0 : i32
    %dma_start3A_21 = tpu.memref_slice %arg2[%dma_start3A_19, %dma_start3A_20] : memref<800000x16xf32, #tpu.memory_space<hbm>> -> memref<800000x16xf32, #tpu.memory_space<hbm>>
    tpu.enqueue_indirect_dma source(%dma_start3A_21 : memref<800000x16xf32, #tpu.memory_space<hbm>>) target(%arg7 : memref<128x16xf32, #tpu.memory_space<vmem>>) offsets(%dma_start3A_18 : memref<128xi32, #tpu.memory_space<vmem>>) semaphore(%arg9 : memref<!tpu.dma_semaphore, #tpu.memory_space<semaphore_mem>>) {add = true}
    %dma_start3A_22 = arith.constant 1 : i32
    %dma_start3A_23 = arith.constant 0 : i32
    %dma_start3A_24 = tpu.memref_slice %arg6[%dma_start3A_22, %dma_start3A_23] : memref<50x128xi32, #tpu.memory_space<vmem>> -> memref<1x128xi32, #tpu.memory_space<vmem>>
    %dma_start3A_25 = tpu.memref_squeeze %dma_start3A_24 : memref<1x128xi32, #tpu.memory_space<vmem>> -> memref<128xi32, #tpu.memory_space<vmem>>
    %dma_start3A_26 = arith.constant 0 : i32
    %dma_start3A_27 = arith.constant 0 : i32
    %dma_start3A_28 = tpu.memref_slice %arg2[%dma_start3A_26, %dma_start3A_27] : memref<800000x16xf32, #tpu.memory_space<hbm>> -> memref<800000x16xf32, #tpu.memory_space<hbm>>
    tpu.enqueue_indirect_dma source(%dma_start3A_28 : memref<800000x16xf32, #tpu.memory_space<hbm>>) target(%arg7 : memref<128x16xf32, #tpu.memory_space<vmem>>) offsets(%dma_start3A_25 : memref<128xi32, #tpu.memory_space<vmem>>) semaphore(%arg9 : memref<!tpu.dma_semaphore, #tpu.memory_space<semaphore_mem>>) {add = true}
    %dma_start3A_29 = arith.constant 2 : i32
    %dma_start3A_30 = arith.constant 0 : i32
    %dma_start3A_31 = tpu.memref_slice %arg6[%dma_start3A_29, %dma_start3A_30] : memref<50x128xi32, #tpu.memory_space<vmem>> -> memref<1x128xi32, #tpu.memory_space<vmem>>
    %dma_start3A_32 = tpu.memref_squeeze %dma_start3A_31 : memref<1x128xi32, #tpu.memory_space<vmem>> -> memref<128xi32, #tpu.memory_space<vmem>>
    %dma_start3A_33 = arith.constant 0 : i32
    %dma_start3A_34 = arith.constant 0 : i32
    %dma_start3A_35 = tpu.memref_slice %arg2[%dma_start3A_33, %dma_start3A_34] : memref<800000x16xf32, #tpu.memory_space<hbm>> -> memref<800000x16xf32, #tpu.memory_space<hbm>>
    tpu.enqueue_indirect_dma source(%dma_start3A_35 : memref<800000x16xf32, #tpu.memory_space<hbm>>) target(%arg7 : memref<128x16xf32, #tpu.memory_space<vmem>>) offsets(%dma_start3A_32 : memref<128xi32, #tpu.memory_space<vmem>>) semaphore(%arg9 : memref<!tpu.dma_semaphore, #tpu.memory_space<semaphore_mem>>) {add = true}
    %dma_start3A_36 = arith.constant 3 : i32
    %dma_start3A_37 = arith.constant 0 : i32
    %dma_start3A_38 = tpu.memref_slice %arg6[%dma_start3A_36, %dma_start3A_37] : memref<50x128xi32, #tpu.memory_space<vmem>> -> memref<1x128xi32, #tpu.memory_space<vmem>>
    %dma_start3A_39 = tpu.memref_squeeze %dma_start3A_38 : memref<1x128xi32, #tpu.memory_space<vmem>> -> memref<128xi32, #tpu.memory_space<vmem>>
    %dma_start3A_40 = arith.constant 0 : i32
    %dma_start3A_41 = arith.constant 0 : i32
    %dma_start3A_42 = tpu.memref_slice %arg2[%dma_start3A_40, %dma_start3A_41] : memref<800000x16xf32, #tpu.memory_space<hbm>> -> memref<800000x16xf32, #tpu.memory_space<hbm>>
    tpu.enqueue_indirect_dma source(%dma_start3A_42 : memref<800000x16xf32, #tpu.memory_space<hbm>>) target(%arg7 : memref<128x16xf32, #tpu.memory_space<vmem>>) offsets(%dma_start3A_39 : memref<128xi32, #tpu.memory_space<vmem>>) semaphore(%arg9 : memref<!tpu.dma_semaphore, #tpu.memory_space<semaphore_mem>>) {add = true}
    %dma_start3A_43 = arith.constant 4 : i32
    %dma_start3A_44 = arith.constant 0 : i32
    %dma_start3A_45 = tpu.memref_slice %arg6[%dma_start3A_43, %dma_start3A_44] : memref<50x128xi32, #tpu.memory_space<vmem>> -> memref<1x128xi32, #tpu.memory_space<vmem>>
    %dma_start3A_46 = tpu.memref_squeeze %dma_start3A_45 : memref<1x128xi32, #tpu.memory_space<vmem>> -> memref<128xi32, #tpu.memory_space<vmem>>
    %dma_start3A_47 = arith.constant 0 : i32
    %dma_start3A_48 = arith.constant 0 : i32
    %dma_start3A_49 = tpu.memref_slice %arg2[%dma_start3A_47, %dma_start3A_48] : memref<800000x16xf32, #tpu.memory_space<hbm>> -> memref<800000x16xf32, #tpu.memory_space<hbm>>
    tpu.enqueue_indirect_dma source(%dma_start3A_49 : memref<800000x16xf32, #tpu.memory_space<hbm>>) target(%arg7 : memref<128x16xf32, #tpu.memory_space<vmem>>) offsets(%dma_start3A_46 : memref<128xi32, #tpu.memory_space<vmem>>) semaphore(%arg9 : memref<!tpu.dma_semaphore, #tpu.memory_space<semaphore_mem>>) {add = true}
    %dma_start3A_50 = arith.constant 5 : i32
    %dma_start3A_51 = arith.constant 0 : i32
    %dma_start3A_52 = tpu.memref_slice %arg6[%dma_start3A_50, %dma_start3A_51] : memref<50x128xi32, #tpu.memory_space<vmem>> -> memref<1x128xi32, #tpu.memory_space<vmem>>
    %dma_start3A_53 = tpu.memref_squeeze %dma_start3A_52 : memref<1x128xi32, #tpu.memory_space<vmem>> -> memref<128xi32, #tpu.memory_space<vmem>>
    %dma_start3A_54 = arith.constant 0 : i32
    %dma_start3A_55 = arith.constant 0 : i32
    %dma_start3A_56 = tpu.memref_slice %arg2[%dma_start3A_54, %dma_start3A_55] : memref<800000x16xf32, #tpu.memory_space<hbm>> -> memref<800000x16xf32, #tpu.memory_space<hbm>>
    tpu.enqueue_indirect_dma source(%dma_start3A_56 : memref<800000x16xf32, #tpu.memory_space<hbm>>) target(%arg7 : memref<128x16xf32, #tpu.memory_space<vmem>>) offsets(%dma_start3A_53 : memref<128xi32, #tpu.memory_space<vmem>>) semaphore(%arg9 : memref<!tpu.dma_semaphore, #tpu.memory_space<semaphore_mem>>) {add = true}
    %dma_start3A_57 = arith.constant 6 : i32
    %dma_start3A_58 = arith.constant 0 : i32
    %dma_start3A_59 = tpu.memref_slice %arg6[%dma_start3A_57, %dma_start3A_58] : memref<50x128xi32, #tpu.memory_space<vmem>> -> memref<1x128xi32, #tpu.memory_space<vmem>>
    %dma_start3A_60 = tpu.memref_squeeze %dma_start3A_59 : memref<1x128xi32, #tpu.memory_space<vmem>> -> memref<128xi32, #tpu.memory_space<vmem>>
    %dma_start3A_61 = arith.constant 0 : i32
    %dma_start3A_62 = arith.constant 0 : i32
    %dma_start3A_63 = tpu.memref_slice %arg2[%dma_start3A_61, %dma_start3A_62] : memref<800000x16xf32, #tpu.memory_space<hbm>> -> memref<800000x16xf32, #tpu.memory_space<hbm>>
    tpu.enqueue_indirect_dma source(%dma_start3A_63 : memref<800000x16xf32, #tpu.memory_space<hbm>>) target(%arg7 : memref<128x16xf32, #tpu.memory_space<vmem>>) offsets(%dma_start3A_60 : memref<128xi32, #tpu.memory_space<vmem>>) semaphore(%arg9 : memref<!tpu.dma_semaphore, #tpu.memory_space<semaphore_mem>>) {add = true}
    %dma_start3A_64 = arith.constant 7 : i32
    %dma_start3A_65 = arith.constant 0 : i32
    %dma_start3A_66 = tpu.memref_slice %arg6[%dma_start3A_64, %dma_start3A_65] : memref<50x128xi32, #tpu.memory_space<vmem>> -> memref<1x128xi32, #tpu.memory_space<vmem>>
    %dma_start3A_67 = tpu.memref_squeeze %dma_start3A_66 : memref<1x128xi32, #tpu.memory_space<vmem>> -> memref<128xi32, #tpu.memory_space<vmem>>
    %dma_start3A_68 = arith.constant 0 : i32
    %dma_start3A_69 = arith.constant 0 : i32
    %dma_start3A_70 = tpu.memref_slice %arg2[%dma_start3A_68, %dma_start3A_69] : memref<800000x16xf32, #tpu.memory_space<hbm>> -> memref<800000x16xf32, #tpu.memory_space<hbm>>
    tpu.enqueue_indirect_dma source(%dma_start3A_70 : memref<800000x16xf32, #tpu.memory_space<hbm>>) target(%arg7 : memref<128x16xf32, #tpu.memory_space<vmem>>) offsets(%dma_start3A_67 : memref<128xi32, #tpu.memory_space<vmem>>) semaphore(%arg9 : memref<!tpu.dma_semaphore, #tpu.memory_space<semaphore_mem>>) {add = true}
    %dma_start3A_71 = arith.constant 8 : i32
    %dma_start3A_72 = arith.constant 0 : i32
    %dma_start3A_73 = tpu.memref_slice %arg6[%dma_start3A_71, %dma_start3A_72] : memref<50x128xi32, #tpu.memory_space<vmem>> -> memref<1x128xi32, #tpu.memory_space<vmem>>
    %dma_start3A_74 = tpu.memref_squeeze %dma_start3A_73 : memref<1x128xi32, #tpu.memory_space<vmem>> -> memref<128xi32, #tpu.memory_space<vmem>>
    %dma_start3A_75 = arith.constant 0 : i32
    %dma_start3A_76 = arith.constant 0 : i32
    %dma_start3A_77 = tpu.memref_slice %arg2[%dma_start3A_75, %dma_start3A_76] : memref<800000x16xf32, #tpu.memory_space<hbm>> -> memref<800000x16xf32, #tpu.memory_space<hbm>>
    tpu.enqueue_indirect_dma source(%dma_start3A_77 : memref<800000x16xf32, #tpu.memory_space<hbm>>) target(%arg7 : memref<128x16xf32, #tpu.memory_space<vmem>>) offsets(%dma_start3A_74 : memref<128xi32, #tpu.memory_space<vmem>>) semaphore(%arg9 : memref<!tpu.dma_semaphore, #tpu.memory_space<semaphore_mem>>) {add = true}
    %dma_start3A_78 = arith.constant 9 : i32
    %dma_start3A_79 = arith.constant 0 : i32
    %dma_start3A_80 = tpu.memref_slice %arg6[%dma_start3A_78, %dma_start3A_79] : memref<50x128xi32, #tpu.memory_space<vmem>> -> memref<1x128xi32, #tpu.memory_space<vmem>>
    %dma_start3A_81 = tpu.memref_squeeze %dma_start3A_80 : memref<1x128xi32, #tpu.memory_space<vmem>> -> memref<128xi32, #tpu.memory_space<vmem>>
    %dma_start3A_82 = arith.constant 0 : i32
    %dma_start3A_83 = arith.constant 0 : i32
    %dma_start3A_84 = tpu.memref_slice %arg2[%dma_start3A_82, %dma_start3A_83] : memref<800000x16xf32, #tpu.memory_space<hbm>> -> memref<800000x16xf32, #tpu.memory_space<hbm>>
    tpu.enqueue_indirect_dma source(%dma_start3A_84 : memref<800000x16xf32, #tpu.memory_space<hbm>>) target(%arg7 : memref<128x16xf32, #tpu.memory_space<vmem>>) offsets(%dma_start3A_81 : memref<128xi32, #tpu.memory_space<vmem>>) semaphore(%arg9 : memref<!tpu.dma_semaphore, #tpu.memory_space<semaphore_mem>>) {add = true}
    %dma_start3A_85 = arith.constant 10 : i32
    %dma_start3A_86 = arith.constant 0 : i32
    %dma_start3A_87 = tpu.memref_slice %arg6[%dma_start3A_85, %dma_start3A_86] : memref<50x128xi32, #tpu.memory_space<vmem>> -> memref<1x128xi32, #tpu.memory_space<vmem>>
    %dma_start3A_88 = tpu.memref_squeeze %dma_start3A_87 : memref<1x128xi32, #tpu.memory_space<vmem>> -> memref<128xi32, #tpu.memory_space<vmem>>
    %dma_start3A_89 = arith.constant 0 : i32
    %dma_start3A_90 = arith.constant 0 : i32
    %dma_start3A_91 = tpu.memref_slice %arg2[%dma_start3A_89, %dma_start3A_90] : memref<800000x16xf32, #tpu.memory_space<hbm>> -> memref<800000x16xf32, #tpu.memory_space<hbm>>
    tpu.enqueue_indirect_dma source(%dma_start3A_91 : memref<800000x16xf32, #tpu.memory_space<hbm>>) target(%arg7 : memref<128x16xf32, #tpu.memory_space<vmem>>) offsets(%dma_start3A_88 : memref<128xi32, #tpu.memory_space<vmem>>) semaphore(%arg9 : memref<!tpu.dma_semaphore, #tpu.memory_space<semaphore_mem>>) {add = true}
    %dma_start3A_92 = arith.constant 11 : i32
    %dma_start3A_93 = arith.constant 0 : i32
    %dma_start3A_94 = tpu.memref_slice %arg6[%dma_start3A_92, %dma_start3A_93] : memref<50x128xi32, #tpu.memory_space<vmem>> -> memref<1x128xi32, #tpu.memory_space<vmem>>
    %dma_start3A_95 = tpu.memref_squeeze %dma_start3A_94 : memref<1x128xi32, #tpu.memory_space<vmem>> -> memref<128xi32, #tpu.memory_space<vmem>>
    %dma_start3A_96 = arith.constant 0 : i32
    %dma_start3A_97 = arith.constant 0 : i32
    %dma_start3A_98 = tpu.memref_slice %arg2[%dma_start3A_96, %dma_start3A_97] : memref<800000x16xf32, #tpu.memory_space<hbm>> -> memref<800000x16xf32, #tpu.memory_space<hbm>>
    tpu.enqueue_indirect_dma source(%dma_start3A_98 : memref<800000x16xf32, #tpu.memory_space<hbm>>) target(%arg7 : memref<128x16xf32, #tpu.memory_space<vmem>>) offsets(%dma_start3A_95 : memref<128xi32, #tpu.memory_space<vmem>>) semaphore(%arg9 : memref<!tpu.dma_semaphore, #tpu.memory_space<semaphore_mem>>) {add = true}
    %dma_start3A_99 = arith.constant 12 : i32
    %dma_start3A_100 = arith.constant 0 : i32
    %dma_start3A_101 = tpu.memref_slice %arg6[%dma_start3A_99, %dma_start3A_100] : memref<50x128xi32, #tpu.memory_space<vmem>> -> memref<1x128xi32, #tpu.memory_space<vmem>>
    %dma_start3A_102 = tpu.memref_squeeze %dma_start3A_101 : memref<1x128xi32, #tpu.memory_space<vmem>> -> memref<128xi32, #tpu.memory_space<vmem>>
    %dma_start3A_103 = arith.constant 0 : i32
    %dma_start3A_104 = arith.constant 0 : i32
    %dma_start3A_105 = tpu.memref_slice %arg2[%dma_start3A_103, %dma_start3A_104] : memref<800000x16xf32, #tpu.memory_space<hbm>> -> memref<800000x16xf32, #tpu.memory_space<hbm>>
    tpu.enqueue_indirect_dma source(%dma_start3A_105 : memref<800000x16xf32, #tpu.memory_space<hbm>>) target(%arg7 : memref<128x16xf32, #tpu.memory_space<vmem>>) offsets(%dma_start3A_102 : memref<128xi32, #tpu.memory_space<vmem>>) semaphore(%arg9 : memref<!tpu.dma_semaphore, #tpu.memory_space<semaphore_mem>>) {add = true}
    %dma_start3A_106 = arith.constant 13 : i32
    %dma_start3A_107 = arith.constant 0 : i32
    %dma_start3A_108 = tpu.memref_slice %arg6[%dma_start3A_106, %dma_start3A_107] : memref<50x128xi32, #tpu.memory_space<vmem>> -> memref<1x128xi32, #tpu.memory_space<vmem>>
    %dma_start3A_109 = tpu.memref_squeeze %dma_start3A_108 : memref<1x128xi32, #tpu.memory_space<vmem>> -> memref<128xi32, #tpu.memory_space<vmem>>
    %dma_start3A_110 = arith.constant 0 : i32
    %dma_start3A_111 = arith.constant 0 : i32
    %dma_start3A_112 = tpu.memref_slice %arg2[%dma_start3A_110, %dma_start3A_111] : memref<800000x16xf32, #tpu.memory_space<hbm>> -> memref<800000x16xf32, #tpu.memory_space<hbm>>
    tpu.enqueue_indirect_dma source(%dma_start3A_112 : memref<800000x16xf32, #tpu.memory_space<hbm>>) target(%arg7 : memref<128x16xf32, #tpu.memory_space<vmem>>) offsets(%dma_start3A_109 : memref<128xi32, #tpu.memory_space<vmem>>) semaphore(%arg9 : memref<!tpu.dma_semaphore, #tpu.memory_space<semaphore_mem>>) {add = true}
    %dma_start3A_113 = arith.constant 14 : i32
    %dma_start3A_114 = arith.constant 0 : i32
    %dma_start3A_115 = tpu.memref_slice %arg6[%dma_start3A_113, %dma_start3A_114] : memref<50x128xi32, #tpu.memory_space<vmem>> -> memref<1x128xi32, #tpu.memory_space<vmem>>
    %dma_start3A_116 = tpu.memref_squeeze %dma_start3A_115 : memref<1x128xi32, #tpu.memory_space<vmem>> -> memref<128xi32, #tpu.memory_space<vmem>>
    %dma_start3A_117 = arith.constant 0 : i32
    %dma_start3A_118 = arith.constant 0 : i32
    %dma_start3A_119 = tpu.memref_slice %arg2[%dma_start3A_117, %dma_start3A_118] : memref<800000x16xf32, #tpu.memory_space<hbm>> -> memref<800000x16xf32, #tpu.memory_space<hbm>>
    tpu.enqueue_indirect_dma source(%dma_start3A_119 : memref<800000x16xf32, #tpu.memory_space<hbm>>) target(%arg7 : memref<128x16xf32, #tpu.memory_space<vmem>>) offsets(%dma_start3A_116 : memref<128xi32, #tpu.memory_space<vmem>>) semaphore(%arg9 : memref<!tpu.dma_semaphore, #tpu.memory_space<semaphore_mem>>) {add = true}
    %dma_start3A_120 = arith.constant 15 : i32
    %dma_start3A_121 = arith.constant 0 : i32
    %dma_start3A_122 = tpu.memref_slice %arg6[%dma_start3A_120, %dma_start3A_121] : memref<50x128xi32, #tpu.memory_space<vmem>> -> memref<1x128xi32, #tpu.memory_space<vmem>>
    %dma_start3A_123 = tpu.memref_squeeze %dma_start3A_122 : memref<1x128xi32, #tpu.memory_space<vmem>> -> memref<128xi32, #tpu.memory_space<vmem>>
    %dma_start3A_124 = arith.constant 0 : i32
    %dma_start3A_125 = arith.constant 0 : i32
    %dma_start3A_126 = tpu.memref_slice %arg2[%dma_start3A_124, %dma_start3A_125] : memref<800000x16xf32, #tpu.memory_space<hbm>> -> memref<800000x16xf32, #tpu.memory_space<hbm>>
    tpu.enqueue_indirect_dma source(%dma_start3A_126 : memref<800000x16xf32, #tpu.memory_space<hbm>>) target(%arg7 : memref<128x16xf32, #tpu.memory_space<vmem>>) offsets(%dma_start3A_123 : memref<128xi32, #tpu.memory_space<vmem>>) semaphore(%arg9 : memref<!tpu.dma_semaphore, #tpu.memory_space<semaphore_mem>>) {add = true}
    %dma_start3A_127 = arith.constant 16 : i32
    %dma_start3A_128 = arith.constant 0 : i32
    %dma_start3A_129 = tpu.memref_slice %arg6[%dma_start3A_127, %dma_start3A_128] : memref<50x128xi32, #tpu.memory_space<vmem>> -> memref<1x128xi32, #tpu.memory_space<vmem>>
    %dma_start3A_130 = tpu.memref_squeeze %dma_start3A_129 : memref<1x128xi32, #tpu.memory_space<vmem>> -> memref<128xi32, #tpu.memory_space<vmem>>
    %dma_start3A_131 = arith.constant 0 : i32
    %dma_start3A_132 = arith.constant 0 : i32
    %dma_start3A_133 = tpu.memref_slice %arg2[%dma_start3A_131, %dma_start3A_132] : memref<800000x16xf32, #tpu.memory_space<hbm>> -> memref<800000x16xf32, #tpu.memory_space<hbm>>
    tpu.enqueue_indirect_dma source(%dma_start3A_133 : memref<800000x16xf32, #tpu.memory_space<hbm>>) target(%arg7 : memref<128x16xf32, #tpu.memory_space<vmem>>) offsets(%dma_start3A_130 : memref<128xi32, #tpu.memory_space<vmem>>) semaphore(%arg9 : memref<!tpu.dma_semaphore, #tpu.memory_space<semaphore_mem>>) {add = true}
    %dma_start3A_134 = arith.constant 17 : i32
    %dma_start3A_135 = arith.constant 0 : i32
    %dma_start3A_136 = tpu.memref_slice %arg6[%dma_start3A_134, %dma_start3A_135] : memref<50x128xi32, #tpu.memory_space<vmem>> -> memref<1x128xi32, #tpu.memory_space<vmem>>
    %dma_start3A_137 = tpu.memref_squeeze %dma_start3A_136 : memref<1x128xi32, #tpu.memory_space<vmem>> -> memref<128xi32, #tpu.memory_space<vmem>>
    %dma_start3A_138 = arith.constant 0 : i32
    %dma_start3A_139 = arith.constant 0 : i32
    %dma_start3A_140 = tpu.memref_slice %arg2[%dma_start3A_138, %dma_start3A_139] : memref<800000x16xf32, #tpu.memory_space<hbm>> -> memref<800000x16xf32, #tpu.memory_space<hbm>>
    tpu.enqueue_indirect_dma source(%dma_start3A_140 : memref<800000x16xf32, #tpu.memory_space<hbm>>) target(%arg7 : memref<128x16xf32, #tpu.memory_space<vmem>>) offsets(%dma_start3A_137 : memref<128xi32, #tpu.memory_space<vmem>>) semaphore(%arg9 : memref<!tpu.dma_semaphore, #tpu.memory_space<semaphore_mem>>) {add = true}
    %dma_start3A_141 = arith.constant 18 : i32
    %dma_start3A_142 = arith.constant 0 : i32
    %dma_start3A_143 = tpu.memref_slice %arg6[%dma_start3A_141, %dma_start3A_142] : memref<50x128xi32, #tpu.memory_space<vmem>> -> memref<1x128xi32, #tpu.memory_space<vmem>>
    %dma_start3A_144 = tpu.memref_squeeze %dma_start3A_143 : memref<1x128xi32, #tpu.memory_space<vmem>> -> memref<128xi32, #tpu.memory_space<vmem>>
    %dma_start3A_145 = arith.constant 0 : i32
    %dma_start3A_146 = arith.constant 0 : i32
    %dma_start3A_147 = tpu.memref_slice %arg2[%dma_start3A_145, %dma_start3A_146] : memref<800000x16xf32, #tpu.memory_space<hbm>> -> memref<800000x16xf32, #tpu.memory_space<hbm>>
    tpu.enqueue_indirect_dma source(%dma_start3A_147 : memref<800000x16xf32, #tpu.memory_space<hbm>>) target(%arg7 : memref<128x16xf32, #tpu.memory_space<vmem>>) offsets(%dma_start3A_144 : memref<128xi32, #tpu.memory_space<vmem>>) semaphore(%arg9 : memref<!tpu.dma_semaphore, #tpu.memory_space<semaphore_mem>>) {add = true}
    %dma_start3A_148 = arith.constant 19 : i32
    %dma_start3A_149 = arith.constant 0 : i32
    %dma_start3A_150 = tpu.memref_slice %arg6[%dma_start3A_148, %dma_start3A_149] : memref<50x128xi32, #tpu.memory_space<vmem>> -> memref<1x128xi32, #tpu.memory_space<vmem>>
    %dma_start3A_151 = tpu.memref_squeeze %dma_start3A_150 : memref<1x128xi32, #tpu.memory_space<vmem>> -> memref<128xi32, #tpu.memory_space<vmem>>
    %dma_start3A_152 = arith.constant 0 : i32
    %dma_start3A_153 = arith.constant 0 : i32
    %dma_start3A_154 = tpu.memref_slice %arg2[%dma_start3A_152, %dma_start3A_153] : memref<800000x16xf32, #tpu.memory_space<hbm>> -> memref<800000x16xf32, #tpu.memory_space<hbm>>
    tpu.enqueue_indirect_dma source(%dma_start3A_154 : memref<800000x16xf32, #tpu.memory_space<hbm>>) target(%arg7 : memref<128x16xf32, #tpu.memory_space<vmem>>) offsets(%dma_start3A_151 : memref<128xi32, #tpu.memory_space<vmem>>) semaphore(%arg9 : memref<!tpu.dma_semaphore, #tpu.memory_space<semaphore_mem>>) {add = true}
    %dma_start3A_155 = arith.constant 20 : i32
    %dma_start3A_156 = arith.constant 0 : i32
    %dma_start3A_157 = tpu.memref_slice %arg6[%dma_start3A_155, %dma_start3A_156] : memref<50x128xi32, #tpu.memory_space<vmem>> -> memref<1x128xi32, #tpu.memory_space<vmem>>
    %dma_start3A_158 = tpu.memref_squeeze %dma_start3A_157 : memref<1x128xi32, #tpu.memory_space<vmem>> -> memref<128xi32, #tpu.memory_space<vmem>>
    %dma_start3A_159 = arith.constant 0 : i32
    %dma_start3A_160 = arith.constant 0 : i32
    %dma_start3A_161 = tpu.memref_slice %arg2[%dma_start3A_159, %dma_start3A_160] : memref<800000x16xf32, #tpu.memory_space<hbm>> -> memref<800000x16xf32, #tpu.memory_space<hbm>>
    tpu.enqueue_indirect_dma source(%dma_start3A_161 : memref<800000x16xf32, #tpu.memory_space<hbm>>) target(%arg7 : memref<128x16xf32, #tpu.memory_space<vmem>>) offsets(%dma_start3A_158 : memref<128xi32, #tpu.memory_space<vmem>>) semaphore(%arg9 : memref<!tpu.dma_semaphore, #tpu.memory_space<semaphore_mem>>) {add = true}
    %dma_start3A_162 = arith.constant 21 : i32
    %dma_start3A_163 = arith.constant 0 : i32
    %dma_start3A_164 = tpu.memref_slice %arg6[%dma_start3A_162, %dma_start3A_163] : memref<50x128xi32, #tpu.memory_space<vmem>> -> memref<1x128xi32, #tpu.memory_space<vmem>>
    %dma_start3A_165 = tpu.memref_squeeze %dma_start3A_164 : memref<1x128xi32, #tpu.memory_space<vmem>> -> memref<128xi32, #tpu.memory_space<vmem>>
    %dma_start3A_166 = arith.constant 0 : i32
    %dma_start3A_167 = arith.constant 0 : i32
    %dma_start3A_168 = tpu.memref_slice %arg2[%dma_start3A_166, %dma_start3A_167] : memref<800000x16xf32, #tpu.memory_space<hbm>> -> memref<800000x16xf32, #tpu.memory_space<hbm>>
    tpu.enqueue_indirect_dma source(%dma_start3A_168 : memref<800000x16xf32, #tpu.memory_space<hbm>>) target(%arg7 : memref<128x16xf32, #tpu.memory_space<vmem>>) offsets(%dma_start3A_165 : memref<128xi32, #tpu.memory_space<vmem>>) semaphore(%arg9 : memref<!tpu.dma_semaphore, #tpu.memory_space<semaphore_mem>>) {add = true}
    %dma_start3A_169 = arith.constant 22 : i32
    %dma_start3A_170 = arith.constant 0 : i32
    %dma_start3A_171 = tpu.memref_slice %arg6[%dma_start3A_169, %dma_start3A_170] : memref<50x128xi32, #tpu.memory_space<vmem>> -> memref<1x128xi32, #tpu.memory_space<vmem>>
    %dma_start3A_172 = tpu.memref_squeeze %dma_start3A_171 : memref<1x128xi32, #tpu.memory_space<vmem>> -> memref<128xi32, #tpu.memory_space<vmem>>
    %dma_start3A_173 = arith.constant 0 : i32
    %dma_start3A_174 = arith.constant 0 : i32
    %dma_start3A_175 = tpu.memref_slice %arg2[%dma_start3A_173, %dma_start3A_174] : memref<800000x16xf32, #tpu.memory_space<hbm>> -> memref<800000x16xf32, #tpu.memory_space<hbm>>
    tpu.enqueue_indirect_dma source(%dma_start3A_175 : memref<800000x16xf32, #tpu.memory_space<hbm>>) target(%arg7 : memref<128x16xf32, #tpu.memory_space<vmem>>) offsets(%dma_start3A_172 : memref<128xi32, #tpu.memory_space<vmem>>) semaphore(%arg9 : memref<!tpu.dma_semaphore, #tpu.memory_space<semaphore_mem>>) {add = true}
    %dma_start3A_176 = arith.constant 23 : i32
    %dma_start3A_177 = arith.constant 0 : i32
    %dma_start3A_178 = tpu.memref_slice %arg6[%dma_start3A_176, %dma_start3A_177] : memref<50x128xi32, #tpu.memory_space<vmem>> -> memref<1x128xi32, #tpu.memory_space<vmem>>
    %dma_start3A_179 = tpu.memref_squeeze %dma_start3A_178 : memref<1x128xi32, #tpu.memory_space<vmem>> -> memref<128xi32, #tpu.memory_space<vmem>>
    %dma_start3A_180 = arith.constant 0 : i32
    %dma_start3A_181 = arith.constant 0 : i32
    %dma_start3A_182 = tpu.memref_slice %arg2[%dma_start3A_180, %dma_start3A_181] : memref<800000x16xf32, #tpu.memory_space<hbm>> -> memref<800000x16xf32, #tpu.memory_space<hbm>>
    tpu.enqueue_indirect_dma source(%dma_start3A_182 : memref<800000x16xf32, #tpu.memory_space<hbm>>) target(%arg7 : memref<128x16xf32, #tpu.memory_space<vmem>>) offsets(%dma_start3A_179 : memref<128xi32, #tpu.memory_space<vmem>>) semaphore(%arg9 : memref<!tpu.dma_semaphore, #tpu.memory_space<semaphore_mem>>) {add = true}
    %dma_start3A_183 = arith.constant 24 : i32
    %dma_start3A_184 = arith.constant 0 : i32
    %dma_start3A_185 = tpu.memref_slice %arg6[%dma_start3A_183, %dma_start3A_184] : memref<50x128xi32, #tpu.memory_space<vmem>> -> memref<1x128xi32, #tpu.memory_space<vmem>>
    %dma_start3A_186 = tpu.memref_squeeze %dma_start3A_185 : memref<1x128xi32, #tpu.memory_space<vmem>> -> memref<128xi32, #tpu.memory_space<vmem>>
    %dma_start3A_187 = arith.constant 0 : i32
    %dma_start3A_188 = arith.constant 0 : i32
    %dma_start3A_189 = tpu.memref_slice %arg2[%dma_start3A_187, %dma_start3A_188] : memref<800000x16xf32, #tpu.memory_space<hbm>> -> memref<800000x16xf32, #tpu.memory_space<hbm>>
    tpu.enqueue_indirect_dma source(%dma_start3A_189 : memref<800000x16xf32, #tpu.memory_space<hbm>>) target(%arg7 : memref<128x16xf32, #tpu.memory_space<vmem>>) offsets(%dma_start3A_186 : memref<128xi32, #tpu.memory_space<vmem>>) semaphore(%arg9 : memref<!tpu.dma_semaphore, #tpu.memory_space<semaphore_mem>>) {add = true}
    %scan3A = arith.constant 0 : i32
    %mul3A_190 = arith.constant 1 : i32
    %mul3A_191 = arith.muli %scan3A, %mul3A_190 : i32
    %add3A_192 = arith.constant 1 : i32
    %add3A_193 = arith.addi %add3A_192, %mul3A_191 : i32
    %mul3A_194 = arith.constant 25 : i32
    %mul3A_195 = arith.muli %add3A_193, %mul3A_194 : i32
    %add3A_196 = arith.constant 0 : i32
    %add3A_197 = arith.addi %mul3A_195, %add3A_196 : i32
    %dma_start3A_198 = arith.constant 0 : i32
    %dma_start3A_199 = tpu.memref_slice %arg6[%add3A_197, %dma_start3A_198] : memref<50x128xi32, #tpu.memory_space<vmem>> -> memref<1x128xi32, #tpu.memory_space<vmem>>
    %dma_start3A_200 = tpu.memref_squeeze %dma_start3A_199 : memref<1x128xi32, #tpu.memory_space<vmem>> -> memref<128xi32, #tpu.memory_space<vmem>>
    %dma_start3A_201 = arith.constant 0 : i32
    %dma_start3A_202 = arith.constant 0 : i32
    %dma_start3A_203 = tpu.memref_slice %arg2[%dma_start3A_201, %dma_start3A_202] : memref<800000x16xf32, #tpu.memory_space<hbm>> -> memref<800000x16xf32, #tpu.memory_space<hbm>>
    tpu.enqueue_indirect_dma source(%dma_start3A_203 : memref<800000x16xf32, #tpu.memory_space<hbm>>) target(%arg7 : memref<128x16xf32, #tpu.memory_space<vmem>>) offsets(%dma_start3A_200 : memref<128xi32, #tpu.memory_space<vmem>>) semaphore(%arg9 : memref<!tpu.dma_semaphore, #tpu.memory_space<semaphore_mem>>) {add = true}
    %add3A_204 = arith.constant 1 : i32
    %add3A_205 = arith.addi %mul3A_195, %add3A_204 : i32
    %dma_start3A_206 = arith.constant 0 : i32
    %dma_start3A_207 = tpu.memref_slice %arg6[%add3A_205, %dma_start3A_206] : memref<50x128xi32, #tpu.memory_space<vmem>> -> memref<1x128xi32, #tpu.memory_space<vmem>>
    %dma_start3A_208 = tpu.memref_squeeze %dma_start3A_207 : memref<1x128xi32, #tpu.memory_space<vmem>> -> memref<128xi32, #tpu.memory_space<vmem>>
    %dma_start3A_209 = arith.constant 0 : i32
    %dma_start3A_210 = arith.constant 0 : i32
    %dma_start3A_211 = tpu.memref_slice %arg2[%dma_start3A_209, %dma_start3A_210] : memref<800000x16xf32, #tpu.memory_space<hbm>> -> memref<800000x16xf32, #tpu.memory_space<hbm>>
    tpu.enqueue_indirect_dma source(%dma_start3A_211 : memref<800000x16xf32, #tpu.memory_space<hbm>>) target(%arg7 : memref<128x16xf32, #tpu.memory_space<vmem>>) offsets(%dma_start3A_208 : memref<128xi32, #tpu.memory_space<vmem>>) semaphore(%arg9 : memref<!tpu.dma_semaphore, #tpu.memory_space<semaphore_mem>>) {add = true}
    %add3A_212 = arith.constant 2 : i32
    %add3A_213 = arith.addi %mul3A_195, %add3A_212 : i32
    %dma_start3A_214 = arith.constant 0 : i32
    %dma_start3A_215 = tpu.memref_slice %arg6[%add3A_213, %dma_start3A_214] : memref<50x128xi32, #tpu.memory_space<vmem>> -> memref<1x128xi32, #tpu.memory_space<vmem>>
    %dma_start3A_216 = tpu.memref_squeeze %dma_start3A_215 : memref<1x128xi32, #tpu.memory_space<vmem>> -> memref<128xi32, #tpu.memory_space<vmem>>
    %dma_start3A_217 = arith.constant 0 : i32
    %dma_start3A_218 = arith.constant 0 : i32
    %dma_start3A_219 = tpu.memref_slice %arg2[%dma_start3A_217, %dma_start3A_218] : memref<800000x16xf32, #tpu.memory_space<hbm>> -> memref<800000x16xf32, #tpu.memory_space<hbm>>
    tpu.enqueue_indirect_dma source(%dma_start3A_219 : memref<800000x16xf32, #tpu.memory_space<hbm>>) target(%arg7 : memref<128x16xf32, #tpu.memory_space<vmem>>) offsets(%dma_start3A_216 : memref<128xi32, #tpu.memory_space<vmem>>) semaphore(%arg9 : memref<!tpu.dma_semaphore, #tpu.memory_space<semaphore_mem>>) {add = true}
    %add3A_220 = arith.constant 3 : i32
    %add3A_221 = arith.addi %mul3A_195, %add3A_220 : i32
    %dma_start3A_222 = arith.constant 0 : i32
    %dma_start3A_223 = tpu.memref_slice %arg6[%add3A_221, %dma_start3A_222] : memref<50x128xi32, #tpu.memory_space<vmem>> -> memref<1x128xi32, #tpu.memory_space<vmem>>
    %dma_start3A_224 = tpu.memref_squeeze %dma_start3A_223 : memref<1x128xi32, #tpu.memory_space<vmem>> -> memref<128xi32, #tpu.memory_space<vmem>>
    %dma_start3A_225 = arith.constant 0 : i32
    %dma_start3A_226 = arith.constant 0 : i32
    %dma_start3A_227 = tpu.memref_slice %arg2[%dma_start3A_225, %dma_start3A_226] : memref<800000x16xf32, #tpu.memory_space<hbm>> -> memref<800000x16xf32, #tpu.memory_space<hbm>>
    tpu.enqueue_indirect_dma source(%dma_start3A_227 : memref<800000x16xf32, #tpu.memory_space<hbm>>) target(%arg7 : memref<128x16xf32, #tpu.memory_space<vmem>>) offsets(%dma_start3A_224 : memref<128xi32, #tpu.memory_space<vmem>>) semaphore(%arg9 : memref<!tpu.dma_semaphore, #tpu.memory_space<semaphore_mem>>) {add = true}
    %add3A_228 = arith.constant 4 : i32
    %add3A_229 = arith.addi %mul3A_195, %add3A_228 : i32
    %dma_start3A_230 = arith.constant 0 : i32
    %dma_start3A_231 = tpu.memref_slice %arg6[%add3A_229, %dma_start3A_230] : memref<50x128xi32, #tpu.memory_space<vmem>> -> memref<1x128xi32, #tpu.memory_space<vmem>>
    %dma_start3A_232 = tpu.memref_squeeze %dma_start3A_231 : memref<1x128xi32, #tpu.memory_space<vmem>> -> memref<128xi32, #tpu.memory_space<vmem>>
    %dma_start3A_233 = arith.constant 0 : i32
    %dma_start3A_234 = arith.constant 0 : i32
    %dma_start3A_235 = tpu.memref_slice %arg2[%dma_start3A_233, %dma_start3A_234] : memref<800000x16xf32, #tpu.memory_space<hbm>> -> memref<800000x16xf32, #tpu.memory_space<hbm>>
    tpu.enqueue_indirect_dma source(%dma_start3A_235 : memref<800000x16xf32, #tpu.memory_space<hbm>>) target(%arg7 : memref<128x16xf32, #tpu.memory_space<vmem>>) offsets(%dma_start3A_232 : memref<128xi32, #tpu.memory_space<vmem>>) semaphore(%arg9 : memref<!tpu.dma_semaphore, #tpu.memory_space<semaphore_mem>>) {add = true}
    %add3A_236 = arith.constant 5 : i32
    %add3A_237 = arith.addi %mul3A_195, %add3A_236 : i32
    %dma_start3A_238 = arith.constant 0 : i32
    %dma_start3A_239 = tpu.memref_slice %arg6[%add3A_237, %dma_start3A_238] : memref<50x128xi32, #tpu.memory_space<vmem>> -> memref<1x128xi32, #tpu.memory_space<vmem>>
    %dma_start3A_240 = tpu.memref_squeeze %dma_start3A_239 : memref<1x128xi32, #tpu.memory_space<vmem>> -> memref<128xi32, #tpu.memory_space<vmem>>
    %dma_start3A_241 = arith.constant 0 : i32
    %dma_start3A_242 = arith.constant 0 : i32
    %dma_start3A_243 = tpu.memref_slice %arg2[%dma_start3A_241, %dma_start3A_242] : memref<800000x16xf32, #tpu.memory_space<hbm>> -> memref<800000x16xf32, #tpu.memory_space<hbm>>
    tpu.enqueue_indirect_dma source(%dma_start3A_243 : memref<800000x16xf32, #tpu.memory_space<hbm>>) target(%arg7 : memref<128x16xf32, #tpu.memory_space<vmem>>) offsets(%dma_start3A_240 : memref<128xi32, #tpu.memory_space<vmem>>) semaphore(%arg9 : memref<!tpu.dma_semaphore, #tpu.memory_space<semaphore_mem>>) {add = true}
    %add3A_244 = arith.constant 6 : i32
    %add3A_245 = arith.addi %mul3A_195, %add3A_244 : i32
    %dma_start3A_246 = arith.constant 0 : i32
    %dma_start3A_247 = tpu.memref_slice %arg6[%add3A_245, %dma_start3A_246] : memref<50x128xi32, #tpu.memory_space<vmem>> -> memref<1x128xi32, #tpu.memory_space<vmem>>
    %dma_start3A_248 = tpu.memref_squeeze %dma_start3A_247 : memref<1x128xi32, #tpu.memory_space<vmem>> -> memref<128xi32, #tpu.memory_space<vmem>>
    %dma_start3A_249 = arith.constant 0 : i32
    %dma_start3A_250 = arith.constant 0 : i32
    %dma_start3A_251 = tpu.memref_slice %arg2[%dma_start3A_249, %dma_start3A_250] : memref<800000x16xf32, #tpu.memory_space<hbm>> -> memref<800000x16xf32, #tpu.memory_space<hbm>>
    tpu.enqueue_indirect_dma source(%dma_start3A_251 : memref<800000x16xf32, #tpu.memory_space<hbm>>) target(%arg7 : memref<128x16xf32, #tpu.memory_space<vmem>>) offsets(%dma_start3A_248 : memref<128xi32, #tpu.memory_space<vmem>>) semaphore(%arg9 : memref<!tpu.dma_semaphore, #tpu.memory_space<semaphore_mem>>) {add = true}
    %add3A_252 = arith.constant 7 : i32
    %add3A_253 = arith.addi %mul3A_195, %add3A_252 : i32
    %dma_start3A_254 = arith.constant 0 : i32
    %dma_start3A_255 = tpu.memref_slice %arg6[%add3A_253, %dma_start3A_254] : memref<50x128xi32, #tpu.memory_space<vmem>> -> memref<1x128xi32, #tpu.memory_space<vmem>>
    %dma_start3A_256 = tpu.memref_squeeze %dma_start3A_255 : memref<1x128xi32, #tpu.memory_space<vmem>> -> memref<128xi32, #tpu.memory_space<vmem>>
    %dma_start3A_257 = arith.constant 0 : i32
    %dma_start3A_258 = arith.constant 0 : i32
    %dma_start3A_259 = tpu.memref_slice %arg2[%dma_start3A_257, %dma_start3A_258] : memref<800000x16xf32, #tpu.memory_space<hbm>> -> memref<800000x16xf32, #tpu.memory_space<hbm>>
    tpu.enqueue_indirect_dma source(%dma_start3A_259 : memref<800000x16xf32, #tpu.memory_space<hbm>>) target(%arg7 : memref<128x16xf32, #tpu.memory_space<vmem>>) offsets(%dma_start3A_256 : memref<128xi32, #tpu.memory_space<vmem>>) semaphore(%arg9 : memref<!tpu.dma_semaphore, #tpu.memory_space<semaphore_mem>>) {add = true}
    %add3A_260 = arith.constant 8 : i32
    %add3A_261 = arith.addi %mul3A_195, %add3A_260 : i32
    %dma_start3A_262 = arith.constant 0 : i32
    %dma_start3A_263 = tpu.memref_slice %arg6[%add3A_261, %dma_start3A_262] : memref<50x128xi32, #tpu.memory_space<vmem>> -> memref<1x128xi32, #tpu.memory_space<vmem>>
    %dma_start3A_264 = tpu.memref_squeeze %dma_start3A_263 : memref<1x128xi32, #tpu.memory_space<vmem>> -> memref<128xi32, #tpu.memory_space<vmem>>
    %dma_start3A_265 = arith.constant 0 : i32
    %dma_start3A_266 = arith.constant 0 : i32
    %dma_start3A_267 = tpu.memref_slice %arg2[%dma_start3A_265, %dma_start3A_266] : memref<800000x16xf32, #tpu.memory_space<hbm>> -> memref<800000x16xf32, #tpu.memory_space<hbm>>
    tpu.enqueue_indirect_dma source(%dma_start3A_267 : memref<800000x16xf32, #tpu.memory_space<hbm>>) target(%arg7 : memref<128x16xf32, #tpu.memory_space<vmem>>) offsets(%dma_start3A_264 : memref<128xi32, #tpu.memory_space<vmem>>) semaphore(%arg9 : memref<!tpu.dma_semaphore, #tpu.memory_space<semaphore_mem>>) {add = true}
    %add3A_268 = arith.constant 9 : i32
    %add3A_269 = arith.addi %mul3A_195, %add3A_268 : i32
    %dma_start3A_270 = arith.constant 0 : i32
    %dma_start3A_271 = tpu.memref_slice %arg6[%add3A_269, %dma_start3A_270] : memref<50x128xi32, #tpu.memory_space<vmem>> -> memref<1x128xi32, #tpu.memory_space<vmem>>
    %dma_start3A_272 = tpu.memref_squeeze %dma_start3A_271 : memref<1x128xi32, #tpu.memory_space<vmem>> -> memref<128xi32, #tpu.memory_space<vmem>>
    %dma_start3A_273 = arith.constant 0 : i32
    %dma_start3A_274 = arith.constant 0 : i32
    %dma_start3A_275 = tpu.memref_slice %arg2[%dma_start3A_273, %dma_start3A_274] : memref<800000x16xf32, #tpu.memory_space<hbm>> -> memref<800000x16xf32, #tpu.memory_space<hbm>>
    tpu.enqueue_indirect_dma source(%dma_start3A_275 : memref<800000x16xf32, #tpu.memory_space<hbm>>) target(%arg7 : memref<128x16xf32, #tpu.memory_space<vmem>>) offsets(%dma_start3A_272 : memref<128xi32, #tpu.memory_space<vmem>>) semaphore(%arg9 : memref<!tpu.dma_semaphore, #tpu.memory_space<semaphore_mem>>) {add = true}
    %add3A_276 = arith.constant 10 : i32
    %add3A_277 = arith.addi %mul3A_195, %add3A_276 : i32
    %dma_start3A_278 = arith.constant 0 : i32
    %dma_start3A_279 = tpu.memref_slice %arg6[%add3A_277, %dma_start3A_278] : memref<50x128xi32, #tpu.memory_space<vmem>> -> memref<1x128xi32, #tpu.memory_space<vmem>>
    %dma_start3A_280 = tpu.memref_squeeze %dma_start3A_279 : memref<1x128xi32, #tpu.memory_space<vmem>> -> memref<128xi32, #tpu.memory_space<vmem>>
    %dma_start3A_281 = arith.constant 0 : i32
    %dma_start3A_282 = arith.constant 0 : i32
    %dma_start3A_283 = tpu.memref_slice %arg2[%dma_start3A_281, %dma_start3A_282] : memref<800000x16xf32, #tpu.memory_space<hbm>> -> memref<800000x16xf32, #tpu.memory_space<hbm>>
    tpu.enqueue_indirect_dma source(%dma_start3A_283 : memref<800000x16xf32, #tpu.memory_space<hbm>>) target(%arg7 : memref<128x16xf32, #tpu.memory_space<vmem>>) offsets(%dma_start3A_280 : memref<128xi32, #tpu.memory_space<vmem>>) semaphore(%arg9 : memref<!tpu.dma_semaphore, #tpu.memory_space<semaphore_mem>>) {add = true}
    %add3A_284 = arith.constant 11 : i32
    %add3A_285 = arith.addi %mul3A_195, %add3A_284 : i32
    %dma_start3A_286 = arith.constant 0 : i32
    %dma_start3A_287 = tpu.memref_slice %arg6[%add3A_285, %dma_start3A_286] : memref<50x128xi32, #tpu.memory_space<vmem>> -> memref<1x128xi32, #tpu.memory_space<vmem>>
    %dma_start3A_288 = tpu.memref_squeeze %dma_start3A_287 : memref<1x128xi32, #tpu.memory_space<vmem>> -> memref<128xi32, #tpu.memory_space<vmem>>
    %dma_start3A_289 = arith.constant 0 : i32
    %dma_start3A_290 = arith.constant 0 : i32
    %dma_start3A_291 = tpu.memref_slice %arg2[%dma_start3A_289, %dma_start3A_290] : memref<800000x16xf32, #tpu.memory_space<hbm>> -> memref<800000x16xf32, #tpu.memory_space<hbm>>
    tpu.enqueue_indirect_dma source(%dma_start3A_291 : memref<800000x16xf32, #tpu.memory_space<hbm>>) target(%arg7 : memref<128x16xf32, #tpu.memory_space<vmem>>) offsets(%dma_start3A_288 : memref<128xi32, #tpu.memory_space<vmem>>) semaphore(%arg9 : memref<!tpu.dma_semaphore, #tpu.memory_space<semaphore_mem>>) {add = true}
    %add3A_292 = arith.constant 12 : i32
    %add3A_293 = arith.addi %mul3A_195, %add3A_292 : i32
    %dma_start3A_294 = arith.constant 0 : i32
    %dma_start3A_295 = tpu.memref_slice %arg6[%add3A_293, %dma_start3A_294] : memref<50x128xi32, #tpu.memory_space<vmem>> -> memref<1x128xi32, #tpu.memory_space<vmem>>
    %dma_start3A_296 = tpu.memref_squeeze %dma_start3A_295 : memref<1x128xi32, #tpu.memory_space<vmem>> -> memref<128xi32, #tpu.memory_space<vmem>>
    %dma_start3A_297 = arith.constant 0 : i32
    %dma_start3A_298 = arith.constant 0 : i32
    %dma_start3A_299 = tpu.memref_slice %arg2[%dma_start3A_297, %dma_start3A_298] : memref<800000x16xf32, #tpu.memory_space<hbm>> -> memref<800000x16xf32, #tpu.memory_space<hbm>>
    tpu.enqueue_indirect_dma source(%dma_start3A_299 : memref<800000x16xf32, #tpu.memory_space<hbm>>) target(%arg7 : memref<128x16xf32, #tpu.memory_space<vmem>>) offsets(%dma_start3A_296 : memref<128xi32, #tpu.memory_space<vmem>>) semaphore(%arg9 : memref<!tpu.dma_semaphore, #tpu.memory_space<semaphore_mem>>) {add = true}
    %add3A_300 = arith.constant 13 : i32
    %add3A_301 = arith.addi %mul3A_195, %add3A_300 : i32
    %dma_start3A_302 = arith.constant 0 : i32
    %dma_start3A_303 = tpu.memref_slice %arg6[%add3A_301, %dma_start3A_302] : memref<50x128xi32, #tpu.memory_space<vmem>> -> memref<1x128xi32, #tpu.memory_space<vmem>>
    %dma_start3A_304 = tpu.memref_squeeze %dma_start3A_303 : memref<1x128xi32, #tpu.memory_space<vmem>> -> memref<128xi32, #tpu.memory_space<vmem>>
    %dma_start3A_305 = arith.constant 0 : i32
    %dma_start3A_306 = arith.constant 0 : i32
    %dma_start3A_307 = tpu.memref_slice %arg2[%dma_start3A_305, %dma_start3A_306] : memref<800000x16xf32, #tpu.memory_space<hbm>> -> memref<800000x16xf32, #tpu.memory_space<hbm>>
    tpu.enqueue_indirect_dma source(%dma_start3A_307 : memref<800000x16xf32, #tpu.memory_space<hbm>>) target(%arg7 : memref<128x16xf32, #tpu.memory_space<vmem>>) offsets(%dma_start3A_304 : memref<128xi32, #tpu.memory_space<vmem>>) semaphore(%arg9 : memref<!tpu.dma_semaphore, #tpu.memory_space<semaphore_mem>>) {add = true}
    %add3A_308 = arith.constant 14 : i32
    %add3A_309 = arith.addi %mul3A_195, %add3A_308 : i32
    %dma_start3A_310 = arith.constant 0 : i32
    %dma_start3A_311 = tpu.memref_slice %arg6[%add3A_309, %dma_start3A_310] : memref<50x128xi32, #tpu.memory_space<vmem>> -> memref<1x128xi32, #tpu.memory_space<vmem>>
    %dma_start3A_312 = tpu.memref_squeeze %dma_start3A_311 : memref<1x128xi32, #tpu.memory_space<vmem>> -> memref<128xi32, #tpu.memory_space<vmem>>
    %dma_start3A_313 = arith.constant 0 : i32
    %dma_start3A_314 = arith.constant 0 : i32
    %dma_start3A_315 = tpu.memref_slice %arg2[%dma_start3A_313, %dma_start3A_314] : memref<800000x16xf32, #tpu.memory_space<hbm>> -> memref<800000x16xf32, #tpu.memory_space<hbm>>
    tpu.enqueue_indirect_dma source(%dma_start3A_315 : memref<800000x16xf32, #tpu.memory_space<hbm>>) target(%arg7 : memref<128x16xf32, #tpu.memory_space<vmem>>) offsets(%dma_start3A_312 : memref<128xi32, #tpu.memory_space<vmem>>) semaphore(%arg9 : memref<!tpu.dma_semaphore, #tpu.memory_space<semaphore_mem>>) {add = true}
    %add3A_316 = arith.constant 15 : i32
    %add3A_317 = arith.addi %mul3A_195, %add3A_316 : i32
    %dma_start3A_318 = arith.constant 0 : i32
    %dma_start3A_319 = tpu.memref_slice %arg6[%add3A_317, %dma_start3A_318] : memref<50x128xi32, #tpu.memory_space<vmem>> -> memref<1x128xi32, #tpu.memory_space<vmem>>
    %dma_start3A_320 = tpu.memref_squeeze %dma_start3A_319 : memref<1x128xi32, #tpu.memory_space<vmem>> -> memref<128xi32, #tpu.memory_space<vmem>>
    %dma_start3A_321 = arith.constant 0 : i32
    %dma_start3A_322 = arith.constant 0 : i32
    %dma_start3A_323 = tpu.memref_slice %arg2[%dma_start3A_321, %dma_start3A_322] : memref<800000x16xf32, #tpu.memory_space<hbm>> -> memref<800000x16xf32, #tpu.memory_space<hbm>>
    tpu.enqueue_indirect_dma source(%dma_start3A_323 : memref<800000x16xf32, #tpu.memory_space<hbm>>) target(%arg7 : memref<128x16xf32, #tpu.memory_space<vmem>>) offsets(%dma_start3A_320 : memref<128xi32, #tpu.memory_space<vmem>>) semaphore(%arg9 : memref<!tpu.dma_semaphore, #tpu.memory_space<semaphore_mem>>) {add = true}
    %add3A_324 = arith.constant 16 : i32
    %add3A_325 = arith.addi %mul3A_195, %add3A_324 : i32
    %dma_start3A_326 = arith.constant 0 : i32
    %dma_start3A_327 = tpu.memref_slice %arg6[%add3A_325, %dma_start3A_326] : memref<50x128xi32, #tpu.memory_space<vmem>> -> memref<1x128xi32, #tpu.memory_space<vmem>>
    %dma_start3A_328 = tpu.memref_squeeze %dma_start3A_327 : memref<1x128xi32, #tpu.memory_space<vmem>> -> memref<128xi32, #tpu.memory_space<vmem>>
    %dma_start3A_329 = arith.constant 0 : i32
    %dma_start3A_330 = arith.constant 0 : i32
    %dma_start3A_331 = tpu.memref_slice %arg2[%dma_start3A_329, %dma_start3A_330] : memref<800000x16xf32, #tpu.memory_space<hbm>> -> memref<800000x16xf32, #tpu.memory_space<hbm>>
    tpu.enqueue_indirect_dma source(%dma_start3A_331 : memref<800000x16xf32, #tpu.memory_space<hbm>>) target(%arg7 : memref<128x16xf32, #tpu.memory_space<vmem>>) offsets(%dma_start3A_328 : memref<128xi32, #tpu.memory_space<vmem>>) semaphore(%arg9 : memref<!tpu.dma_semaphore, #tpu.memory_space<semaphore_mem>>) {add = true}
    %add3A_332 = arith.constant 17 : i32
    %add3A_333 = arith.addi %mul3A_195, %add3A_332 : i32
    %dma_start3A_334 = arith.constant 0 : i32
    %dma_start3A_335 = tpu.memref_slice %arg6[%add3A_333, %dma_start3A_334] : memref<50x128xi32, #tpu.memory_space<vmem>> -> memref<1x128xi32, #tpu.memory_space<vmem>>
    %dma_start3A_336 = tpu.memref_squeeze %dma_start3A_335 : memref<1x128xi32, #tpu.memory_space<vmem>> -> memref<128xi32, #tpu.memory_space<vmem>>
    %dma_start3A_337 = arith.constant 0 : i32
    %dma_start3A_338 = arith.constant 0 : i32
    %dma_start3A_339 = tpu.memref_slice %arg2[%dma_start3A_337, %dma_start3A_338] : memref<800000x16xf32, #tpu.memory_space<hbm>> -> memref<800000x16xf32, #tpu.memory_space<hbm>>
    tpu.enqueue_indirect_dma source(%dma_start3A_339 : memref<800000x16xf32, #tpu.memory_space<hbm>>) target(%arg7 : memref<128x16xf32, #tpu.memory_space<vmem>>) offsets(%dma_start3A_336 : memref<128xi32, #tpu.memory_space<vmem>>) semaphore(%arg9 : memref<!tpu.dma_semaphore, #tpu.memory_space<semaphore_mem>>) {add = true}
    %add3A_340 = arith.constant 18 : i32
    %add3A_341 = arith.addi %mul3A_195, %add3A_340 : i32
    %dma_start3A_342 = arith.constant 0 : i32
    %dma_start3A_343 = tpu.memref_slice %arg6[%add3A_341, %dma_start3A_342] : memref<50x128xi32, #tpu.memory_space<vmem>> -> memref<1x128xi32, #tpu.memory_space<vmem>>
    %dma_start3A_344 = tpu.memref_squeeze %dma_start3A_343 : memref<1x128xi32, #tpu.memory_space<vmem>> -> memref<128xi32, #tpu.memory_space<vmem>>
    %dma_start3A_345 = arith.constant 0 : i32
    %dma_start3A_346 = arith.constant 0 : i32
    %dma_start3A_347 = tpu.memref_slice %arg2[%dma_start3A_345, %dma_start3A_346] : memref<800000x16xf32, #tpu.memory_space<hbm>> -> memref<800000x16xf32, #tpu.memory_space<hbm>>
    tpu.enqueue_indirect_dma source(%dma_start3A_347 : memref<800000x16xf32, #tpu.memory_space<hbm>>) target(%arg7 : memref<128x16xf32, #tpu.memory_space<vmem>>) offsets(%dma_start3A_344 : memref<128xi32, #tpu.memory_space<vmem>>) semaphore(%arg9 : memref<!tpu.dma_semaphore, #tpu.memory_space<semaphore_mem>>) {add = true}
    %add3A_348 = arith.constant 19 : i32
    %add3A_349 = arith.addi %mul3A_195, %add3A_348 : i32
    %dma_start3A_350 = arith.constant 0 : i32
    %dma_start3A_351 = tpu.memref_slice %arg6[%add3A_349, %dma_start3A_350] : memref<50x128xi32, #tpu.memory_space<vmem>> -> memref<1x128xi32, #tpu.memory_space<vmem>>
    %dma_start3A_352 = tpu.memref_squeeze %dma_start3A_351 : memref<1x128xi32, #tpu.memory_space<vmem>> -> memref<128xi32, #tpu.memory_space<vmem>>
    %dma_start3A_353 = arith.constant 0 : i32
    %dma_start3A_354 = arith.constant 0 : i32
    %dma_start3A_355 = tpu.memref_slice %arg2[%dma_start3A_353, %dma_start3A_354] : memref<800000x16xf32, #tpu.memory_space<hbm>> -> memref<800000x16xf32, #tpu.memory_space<hbm>>
    tpu.enqueue_indirect_dma source(%dma_start3A_355 : memref<800000x16xf32, #tpu.memory_space<hbm>>) target(%arg7 : memref<128x16xf32, #tpu.memory_space<vmem>>) offsets(%dma_start3A_352 : memref<128xi32, #tpu.memory_space<vmem>>) semaphore(%arg9 : memref<!tpu.dma_semaphore, #tpu.memory_space<semaphore_mem>>) {add = true}
    %add3A_356 = arith.constant 20 : i32
    %add3A_357 = arith.addi %mul3A_195, %add3A_356 : i32
    %dma_start3A_358 = arith.constant 0 : i32
    %dma_start3A_359 = tpu.memref_slice %arg6[%add3A_357, %dma_start3A_358] : memref<50x128xi32, #tpu.memory_space<vmem>> -> memref<1x128xi32, #tpu.memory_space<vmem>>
    %dma_start3A_360 = tpu.memref_squeeze %dma_start3A_359 : memref<1x128xi32, #tpu.memory_space<vmem>> -> memref<128xi32, #tpu.memory_space<vmem>>
    %dma_start3A_361 = arith.constant 0 : i32
    %dma_start3A_362 = arith.constant 0 : i32
    %dma_start3A_363 = tpu.memref_slice %arg2[%dma_start3A_361, %dma_start3A_362] : memref<800000x16xf32, #tpu.memory_space<hbm>> -> memref<800000x16xf32, #tpu.memory_space<hbm>>
    tpu.enqueue_indirect_dma source(%dma_start3A_363 : memref<800000x16xf32, #tpu.memory_space<hbm>>) target(%arg7 : memref<128x16xf32, #tpu.memory_space<vmem>>) offsets(%dma_start3A_360 : memref<128xi32, #tpu.memory_space<vmem>>) semaphore(%arg9 : memref<!tpu.dma_semaphore, #tpu.memory_space<semaphore_mem>>) {add = true}
    %add3A_364 = arith.constant 21 : i32
    %add3A_365 = arith.addi %mul3A_195, %add3A_364 : i32
    %dma_start3A_366 = arith.constant 0 : i32
    %dma_start3A_367 = tpu.memref_slice %arg6[%add3A_365, %dma_start3A_366] : memref<50x128xi32, #tpu.memory_space<vmem>> -> memref<1x128xi32, #tpu.memory_space<vmem>>
    %dma_start3A_368 = tpu.memref_squeeze %dma_start3A_367 : memref<1x128xi32, #tpu.memory_space<vmem>> -> memref<128xi32, #tpu.memory_space<vmem>>
    %dma_start3A_369 = arith.constant 0 : i32
    %dma_start3A_370 = arith.constant 0 : i32
    %dma_start3A_371 = tpu.memref_slice %arg2[%dma_start3A_369, %dma_start3A_370] : memref<800000x16xf32, #tpu.memory_space<hbm>> -> memref<800000x16xf32, #tpu.memory_space<hbm>>
    tpu.enqueue_indirect_dma source(%dma_start3A_371 : memref<800000x16xf32, #tpu.memory_space<hbm>>) target(%arg7 : memref<128x16xf32, #tpu.memory_space<vmem>>) offsets(%dma_start3A_368 : memref<128xi32, #tpu.memory_space<vmem>>) semaphore(%arg9 : memref<!tpu.dma_semaphore, #tpu.memory_space<semaphore_mem>>) {add = true}
    %add3A_372 = arith.constant 22 : i32
    %add3A_373 = arith.addi %mul3A_195, %add3A_372 : i32
    %dma_start3A_374 = arith.constant 0 : i32
    %dma_start3A_375 = tpu.memref_slice %arg6[%add3A_373, %dma_start3A_374] : memref<50x128xi32, #tpu.memory_space<vmem>> -> memref<1x128xi32, #tpu.memory_space<vmem>>
    %dma_start3A_376 = tpu.memref_squeeze %dma_start3A_375 : memref<1x128xi32, #tpu.memory_space<vmem>> -> memref<128xi32, #tpu.memory_space<vmem>>
    %dma_start3A_377 = arith.constant 0 : i32
    %dma_start3A_378 = arith.constant 0 : i32
    %dma_start3A_379 = tpu.memref_slice %arg2[%dma_start3A_377, %dma_start3A_378] : memref<800000x16xf32, #tpu.memory_space<hbm>> -> memref<800000x16xf32, #tpu.memory_space<hbm>>
    tpu.enqueue_indirect_dma source(%dma_start3A_379 : memref<800000x16xf32, #tpu.memory_space<hbm>>) target(%arg7 : memref<128x16xf32, #tpu.memory_space<vmem>>) offsets(%dma_start3A_376 : memref<128xi32, #tpu.memory_space<vmem>>) semaphore(%arg9 : memref<!tpu.dma_semaphore, #tpu.memory_space<semaphore_mem>>) {add = true}
    %add3A_380 = arith.constant 23 : i32
    %add3A_381 = arith.addi %mul3A_195, %add3A_380 : i32
    %dma_start3A_382 = arith.constant 0 : i32
    %dma_start3A_383 = tpu.memref_slice %arg6[%add3A_381, %dma_start3A_382] : memref<50x128xi32, #tpu.memory_space<vmem>> -> memref<1x128xi32, #tpu.memory_space<vmem>>
    %dma_start3A_384 = tpu.memref_squeeze %dma_start3A_383 : memref<1x128xi32, #tpu.memory_space<vmem>> -> memref<128xi32, #tpu.memory_space<vmem>>
    %dma_start3A_385 = arith.constant 0 : i32
    %dma_start3A_386 = arith.constant 0 : i32
    %dma_start3A_387 = tpu.memref_slice %arg2[%dma_start3A_385, %dma_start3A_386] : memref<800000x16xf32, #tpu.memory_space<hbm>> -> memref<800000x16xf32, #tpu.memory_space<hbm>>
    tpu.enqueue_indirect_dma source(%dma_start3A_387 : memref<800000x16xf32, #tpu.memory_space<hbm>>) target(%arg7 : memref<128x16xf32, #tpu.memory_space<vmem>>) offsets(%dma_start3A_384 : memref<128xi32, #tpu.memory_space<vmem>>) semaphore(%arg9 : memref<!tpu.dma_semaphore, #tpu.memory_space<semaphore_mem>>) {add = true}
    %add3A_388 = arith.constant 24 : i32
    %add3A_389 = arith.addi %mul3A_195, %add3A_388 : i32
    %dma_start3A_390 = arith.constant 0 : i32
    %dma_start3A_391 = tpu.memref_slice %arg6[%add3A_389, %dma_start3A_390] : memref<50x128xi32, #tpu.memory_space<vmem>> -> memref<1x128xi32, #tpu.memory_space<vmem>>
    %dma_start3A_392 = tpu.memref_squeeze %dma_start3A_391 : memref<1x128xi32, #tpu.memory_space<vmem>> -> memref<128xi32, #tpu.memory_space<vmem>>
    %dma_start3A_393 = arith.constant 0 : i32
    %dma_start3A_394 = arith.constant 0 : i32
    %dma_start3A_395 = tpu.memref_slice %arg2[%dma_start3A_393, %dma_start3A_394] : memref<800000x16xf32, #tpu.memory_space<hbm>> -> memref<800000x16xf32, #tpu.memory_space<hbm>>
    tpu.enqueue_indirect_dma source(%dma_start3A_395 : memref<800000x16xf32, #tpu.memory_space<hbm>>) target(%arg7 : memref<128x16xf32, #tpu.memory_space<vmem>>) offsets(%dma_start3A_392 : memref<128xi32, #tpu.memory_space<vmem>>) semaphore(%arg9 : memref<!tpu.dma_semaphore, #tpu.memory_space<semaphore_mem>>) {add = true}
    %dma_wait3A_396 = arith.constant 0 : i32
    %dma_wait3A_397 = arith.constant 0 : i32
    %dma_wait3A_398 = tpu.memref_slice %arg6[%dma_wait3A_396, %dma_wait3A_397] : memref<50x128xi32, #tpu.memory_space<vmem>> -> memref<1x128xi32, #tpu.memory_space<vmem>>
    %dma_wait3A_399 = tpu.memref_squeeze %dma_wait3A_398 : memref<1x128xi32, #tpu.memory_space<vmem>> -> memref<128xi32, #tpu.memory_space<vmem>>
    %dma_wait3A_400 = arith.constant 0 : i32
    %dma_wait3A_401 = arith.constant 0 : i32
    %dma_wait3A_402 = tpu.memref_slice %arg2[%dma_wait3A_400, %dma_wait3A_401] : memref<800000x16xf32, #tpu.memory_space<hbm>> -> memref<800000x16xf32, #tpu.memory_space<hbm>>
    tpu.wait_indirect_dma semaphore(%arg9 : memref<!tpu.dma_semaphore, #tpu.memory_space<semaphore_mem>>) src(%dma_wait3A_402 : memref<800000x16xf32, #tpu.memory_space<hbm>>) dst(%arg7 : memref<128x16xf32, #tpu.memory_space<vmem>>)
    %dma_wait3A_403 = arith.constant 0 : i32
    %dma_wait3A_404 = arith.constant 0 : i32
    %dma_wait3A_405 = tpu.memref_slice %arg6[%dma_wait3A_403, %dma_wait3A_404] : memref<50x128xi32, #tpu.memory_space<vmem>> -> memref<1x128xi32, #tpu.memory_space<vmem>>
    %dma_wait3A_406 = tpu.memref_squeeze %dma_wait3A_405 : memref<1x128xi32, #tpu.memory_space<vmem>> -> memref<128xi32, #tpu.memory_space<vmem>>
    %dma_wait3A_407 = arith.constant 0 : i32
    %dma_wait3A_408 = arith.constant 0 : i32
    %dma_wait3A_409 = tpu.memref_slice %arg2[%dma_wait3A_407, %dma_wait3A_408] : memref<800000x16xf32, #tpu.memory_space<hbm>> -> memref<800000x16xf32, #tpu.memory_space<hbm>>
    tpu.wait_indirect_dma semaphore(%arg9 : memref<!tpu.dma_semaphore, #tpu.memory_space<semaphore_mem>>) src(%dma_wait3A_409 : memref<800000x16xf32, #tpu.memory_space<hbm>>) dst(%arg7 : memref<128x16xf32, #tpu.memory_space<vmem>>)
    %dma_wait3A_410 = arith.constant 0 : i32
    %dma_wait3A_411 = arith.constant 0 : i32
    %dma_wait3A_412 = tpu.memref_slice %arg6[%dma_wait3A_410, %dma_wait3A_411] : memref<50x128xi32, #tpu.memory_space<vmem>> -> memref<1x128xi32, #tpu.memory_space<vmem>>
    %dma_wait3A_413 = tpu.memref_squeeze %dma_wait3A_412 : memref<1x128xi32, #tpu.memory_space<vmem>> -> memref<128xi32, #tpu.memory_space<vmem>>
    %dma_wait3A_414 = arith.constant 0 : i32
    %dma_wait3A_415 = arith.constant 0 : i32
    %dma_wait3A_416 = tpu.memref_slice %arg2[%dma_wait3A_414, %dma_wait3A_415] : memref<800000x16xf32, #tpu.memory_space<hbm>> -> memref<800000x16xf32, #tpu.memory_space<hbm>>
    tpu.wait_indirect_dma semaphore(%arg9 : memref<!tpu.dma_semaphore, #tpu.memory_space<semaphore_mem>>) src(%dma_wait3A_416 : memref<800000x16xf32, #tpu.memory_space<hbm>>) dst(%arg7 : memref<128x16xf32, #tpu.memory_space<vmem>>)
    %dma_wait3A_417 = arith.constant 0 : i32
    %dma_wait3A_418 = arith.constant 0 : i32
    %dma_wait3A_419 = tpu.memref_slice %arg6[%dma_wait3A_417, %dma_wait3A_418] : memref<50x128xi32, #tpu.memory_space<vmem>> -> memref<1x128xi32, #tpu.memory_space<vmem>>
    %dma_wait3A_420 = tpu.memref_squeeze %dma_wait3A_419 : memref<1x128xi32, #tpu.memory_space<vmem>> -> memref<128xi32, #tpu.memory_space<vmem>>
    %dma_wait3A_421 = arith.constant 0 : i32
    %dma_wait3A_422 = arith.constant 0 : i32
    %dma_wait3A_423 = tpu.memref_slice %arg2[%dma_wait3A_421, %dma_wait3A_422] : memref<800000x16xf32, #tpu.memory_space<hbm>> -> memref<800000x16xf32, #tpu.memory_space<hbm>>
    tpu.wait_indirect_dma semaphore(%arg9 : memref<!tpu.dma_semaphore, #tpu.memory_space<semaphore_mem>>) src(%dma_wait3A_423 : memref<800000x16xf32, #tpu.memory_space<hbm>>) dst(%arg7 : memref<128x16xf32, #tpu.memory_space<vmem>>)
    %dma_wait3A_424 = arith.constant 0 : i32
    %dma_wait3A_425 = arith.constant 0 : i32
    %dma_wait3A_426 = tpu.memref_slice %arg6[%dma_wait3A_424, %dma_wait3A_425] : memref<50x128xi32, #tpu.memory_space<vmem>> -> memref<1x128xi32, #tpu.memory_space<vmem>>
    %dma_wait3A_427 = tpu.memref_squeeze %dma_wait3A_426 : memref<1x128xi32, #tpu.memory_space<vmem>> -> memref<128xi32, #tpu.memory_space<vmem>>
    %dma_wait3A_428 = arith.constant 0 : i32
    %dma_wait3A_429 = arith.constant 0 : i32
    %dma_wait3A_430 = tpu.memref_slice %arg2[%dma_wait3A_428, %dma_wait3A_429] : memref<800000x16xf32, #tpu.memory_space<hbm>> -> memref<800000x16xf32, #tpu.memory_space<hbm>>
    tpu.wait_indirect_dma semaphore(%arg9 : memref<!tpu.dma_semaphore, #tpu.memory_space<semaphore_mem>>) src(%dma_wait3A_430 : memref<800000x16xf32, #tpu.memory_space<hbm>>) dst(%arg7 : memref<128x16xf32, #tpu.memory_space<vmem>>)
    %dma_wait3A_431 = arith.constant 0 : i32
    %dma_wait3A_432 = arith.constant 0 : i32
    %dma_wait3A_433 = tpu.memref_slice %arg6[%dma_wait3A_431, %dma_wait3A_432] : memref<50x128xi32, #tpu.memory_space<vmem>> -> memref<1x128xi32, #tpu.memory_space<vmem>>
    %dma_wait3A_434 = tpu.memref_squeeze %dma_wait3A_433 : memref<1x128xi32, #tpu.memory_space<vmem>> -> memref<128xi32, #tpu.memory_space<vmem>>
    %dma_wait3A_435 = arith.constant 0 : i32
    %dma_wait3A_436 = arith.constant 0 : i32
    %dma_wait3A_437 = tpu.memref_slice %arg2[%dma_wait3A_435, %dma_wait3A_436] : memref<800000x16xf32, #tpu.memory_space<hbm>> -> memref<800000x16xf32, #tpu.memory_space<hbm>>
    tpu.wait_indirect_dma semaphore(%arg9 : memref<!tpu.dma_semaphore, #tpu.memory_space<semaphore_mem>>) src(%dma_wait3A_437 : memref<800000x16xf32, #tpu.memory_space<hbm>>) dst(%arg7 : memref<128x16xf32, #tpu.memory_space<vmem>>)
    %dma_wait3A_438 = arith.constant 0 : i32
    %dma_wait3A_439 = arith.constant 0 : i32
    %dma_wait3A_440 = tpu.memref_slice %arg6[%dma_wait3A_438, %dma_wait3A_439] : memref<50x128xi32, #tpu.memory_space<vmem>> -> memref<1x128xi32, #tpu.memory_space<vmem>>
    %dma_wait3A_441 = tpu.memref_squeeze %dma_wait3A_440 : memref<1x128xi32, #tpu.memory_space<vmem>> -> memref<128xi32, #tpu.memory_space<vmem>>
    %dma_wait3A_442 = arith.constant 0 : i32
    %dma_wait3A_443 = arith.constant 0 : i32
    %dma_wait3A_444 = tpu.memref_slice %arg2[%dma_wait3A_442, %dma_wait3A_443] : memref<800000x16xf32, #tpu.memory_space<hbm>> -> memref<800000x16xf32, #tpu.memory_space<hbm>>
    tpu.wait_indirect_dma semaphore(%arg9 : memref<!tpu.dma_semaphore, #tpu.memory_space<semaphore_mem>>) src(%dma_wait3A_444 : memref<800000x16xf32, #tpu.memory_space<hbm>>) dst(%arg7 : memref<128x16xf32, #tpu.memory_space<vmem>>)
    %dma_wait3A_445 = arith.constant 0 : i32
    %dma_wait3A_446 = arith.constant 0 : i32
    %dma_wait3A_447 = tpu.memref_slice %arg6[%dma_wait3A_445, %dma_wait3A_446] : memref<50x128xi32, #tpu.memory_space<vmem>> -> memref<1x128xi32, #tpu.memory_space<vmem>>
    %dma_wait3A_448 = tpu.memref_squeeze %dma_wait3A_447 : memref<1x128xi32, #tpu.memory_space<vmem>> -> memref<128xi32, #tpu.memory_space<vmem>>
    %dma_wait3A_449 = arith.constant 0 : i32
    %dma_wait3A_450 = arith.constant 0 : i32
    %dma_wait3A_451 = tpu.memref_slice %arg2[%dma_wait3A_449, %dma_wait3A_450] : memref<800000x16xf32, #tpu.memory_space<hbm>> -> memref<800000x16xf32, #tpu.memory_space<hbm>>
    tpu.wait_indirect_dma semaphore(%arg9 : memref<!tpu.dma_semaphore, #tpu.memory_space<semaphore_mem>>) src(%dma_wait3A_451 : memref<800000x16xf32, #tpu.memory_space<hbm>>) dst(%arg7 : memref<128x16xf32, #tpu.memory_space<vmem>>)
    %dma_wait3A_452 = arith.constant 0 : i32
    %dma_wait3A_453 = arith.constant 0 : i32
    %dma_wait3A_454 = tpu.memref_slice %arg6[%dma_wait3A_452, %dma_wait3A_453] : memref<50x128xi32, #tpu.memory_space<vmem>> -> memref<1x128xi32, #tpu.memory_space<vmem>>
    %dma_wait3A_455 = tpu.memref_squeeze %dma_wait3A_454 : memref<1x128xi32, #tpu.memory_space<vmem>> -> memref<128xi32, #tpu.memory_space<vmem>>
    %dma_wait3A_456 = arith.constant 0 : i32
    %dma_wait3A_457 = arith.constant 0 : i32
    %dma_wait3A_458 = tpu.memref_slice %arg2[%dma_wait3A_456, %dma_wait3A_457] : memref<800000x16xf32, #tpu.memory_space<hbm>> -> memref<800000x16xf32, #tpu.memory_space<hbm>>
    tpu.wait_indirect_dma semaphore(%arg9 : memref<!tpu.dma_semaphore, #tpu.memory_space<semaphore_mem>>) src(%dma_wait3A_458 : memref<800000x16xf32, #tpu.memory_space<hbm>>) dst(%arg7 : memref<128x16xf32, #tpu.memory_space<vmem>>)
    %dma_wait3A_459 = arith.constant 0 : i32
    %dma_wait3A_460 = arith.constant 0 : i32
    %dma_wait3A_461 = tpu.memref_slice %arg6[%dma_wait3A_459, %dma_wait3A_460] : memref<50x128xi32, #tpu.memory_space<vmem>> -> memref<1x128xi32, #tpu.memory_space<vmem>>
    %dma_wait3A_462 = tpu.memref_squeeze %dma_wait3A_461 : memref<1x128xi32, #tpu.memory_space<vmem>> -> memref<128xi32, #tpu.memory_space<vmem>>
    %dma_wait3A_463 = arith.constant 0 : i32
    %dma_wait3A_464 = arith.constant 0 : i32
    %dma_wait3A_465 = tpu.memref_slice %arg2[%dma_wait3A_463, %dma_wait3A_464] : memref<800000x16xf32, #tpu.memory_space<hbm>> -> memref<800000x16xf32, #tpu.memory_space<hbm>>
    tpu.wait_indirect_dma semaphore(%arg9 : memref<!tpu.dma_semaphore, #tpu.memory_space<semaphore_mem>>) src(%dma_wait3A_465 : memref<800000x16xf32, #tpu.memory_space<hbm>>) dst(%arg7 : memref<128x16xf32, #tpu.memory_space<vmem>>)
    %dma_wait3A_466 = arith.constant 0 : i32
    %dma_wait3A_467 = arith.constant 0 : i32
    %dma_wait3A_468 = tpu.memref_slice %arg6[%dma_wait3A_466, %dma_wait3A_467] : memref<50x128xi32, #tpu.memory_space<vmem>> -> memref<1x128xi32, #tpu.memory_space<vmem>>
    %dma_wait3A_469 = tpu.memref_squeeze %dma_wait3A_468 : memref<1x128xi32, #tpu.memory_space<vmem>> -> memref<128xi32, #tpu.memory_space<vmem>>
    %dma_wait3A_470 = arith.constant 0 : i32
    %dma_wait3A_471 = arith.constant 0 : i32
    %dma_wait3A_472 = tpu.memref_slice %arg2[%dma_wait3A_470, %dma_wait3A_471] : memref<800000x16xf32, #tpu.memory_space<hbm>> -> memref<800000x16xf32, #tpu.memory_space<hbm>>
    tpu.wait_indirect_dma semaphore(%arg9 : memref<!tpu.dma_semaphore, #tpu.memory_space<semaphore_mem>>) src(%dma_wait3A_472 : memref<800000x16xf32, #tpu.memory_space<hbm>>) dst(%arg7 : memref<128x16xf32, #tpu.memory_space<vmem>>)
    %dma_wait3A_473 = arith.constant 0 : i32
    %dma_wait3A_474 = arith.constant 0 : i32
    %dma_wait3A_475 = tpu.memref_slice %arg6[%dma_wait3A_473, %dma_wait3A_474] : memref<50x128xi32, #tpu.memory_space<vmem>> -> memref<1x128xi32, #tpu.memory_space<vmem>>
    %dma_wait3A_476 = tpu.memref_squeeze %dma_wait3A_475 : memref<1x128xi32, #tpu.memory_space<vmem>> -> memref<128xi32, #tpu.memory_space<vmem>>
    %dma_wait3A_477 = arith.constant 0 : i32
    %dma_wait3A_478 = arith.constant 0 : i32
    %dma_wait3A_479 = tpu.memref_slice %arg2[%dma_wait3A_477, %dma_wait3A_478] : memref<800000x16xf32, #tpu.memory_space<hbm>> -> memref<800000x16xf32, #tpu.memory_space<hbm>>
    tpu.wait_indirect_dma semaphore(%arg9 : memref<!tpu.dma_semaphore, #tpu.memory_space<semaphore_mem>>) src(%dma_wait3A_479 : memref<800000x16xf32, #tpu.memory_space<hbm>>) dst(%arg7 : memref<128x16xf32, #tpu.memory_space<vmem>>)
    %dma_wait3A_480 = arith.constant 0 : i32
    %dma_wait3A_481 = arith.constant 0 : i32
    %dma_wait3A_482 = tpu.memref_slice %arg6[%dma_wait3A_480, %dma_wait3A_481] : memref<50x128xi32, #tpu.memory_space<vmem>> -> memref<1x128xi32, #tpu.memory_space<vmem>>
    %dma_wait3A_483 = tpu.memref_squeeze %dma_wait3A_482 : memref<1x128xi32, #tpu.memory_space<vmem>> -> memref<128xi32, #tpu.memory_space<vmem>>
    %dma_wait3A_484 = arith.constant 0 : i32
    %dma_wait3A_485 = arith.constant 0 : i32
    %dma_wait3A_486 = tpu.memref_slice %arg2[%dma_wait3A_484, %dma_wait3A_485] : memref<800000x16xf32, #tpu.memory_space<hbm>> -> memref<800000x16xf32, #tpu.memory_space<hbm>>
    tpu.wait_indirect_dma semaphore(%arg9 : memref<!tpu.dma_semaphore, #tpu.memory_space<semaphore_mem>>) src(%dma_wait3A_486 : memref<800000x16xf32, #tpu.memory_space<hbm>>) dst(%arg7 : memref<128x16xf32, #tpu.memory_space<vmem>>)
    %dma_wait3A_487 = arith.constant 0 : i32
    %dma_wait3A_488 = arith.constant 0 : i32
    %dma_wait3A_489 = tpu.memref_slice %arg6[%dma_wait3A_487, %dma_wait3A_488] : memref<50x128xi32, #tpu.memory_space<vmem>> -> memref<1x128xi32, #tpu.memory_space<vmem>>
    %dma_wait3A_490 = tpu.memref_squeeze %dma_wait3A_489 : memref<1x128xi32, #tpu.memory_space<vmem>> -> memref<128xi32, #tpu.memory_space<vmem>>
    %dma_wait3A_491 = arith.constant 0 : i32
    %dma_wait3A_492 = arith.constant 0 : i32
    %dma_wait3A_493 = tpu.memref_slice %arg2[%dma_wait3A_491, %dma_wait3A_492] : memref<800000x16xf32, #tpu.memory_space<hbm>> -> memref<800000x16xf32, #tpu.memory_space<hbm>>
    tpu.wait_indirect_dma semaphore(%arg9 : memref<!tpu.dma_semaphore, #tpu.memory_space<semaphore_mem>>) src(%dma_wait3A_493 : memref<800000x16xf32, #tpu.memory_space<hbm>>) dst(%arg7 : memref<128x16xf32, #tpu.memory_space<vmem>>)
    %dma_wait3A_494 = arith.constant 0 : i32
    %dma_wait3A_495 = arith.constant 0 : i32
    %dma_wait3A_496 = tpu.memref_slice %arg6[%dma_wait3A_494, %dma_wait3A_495] : memref<50x128xi32, #tpu.memory_space<vmem>> -> memref<1x128xi32, #tpu.memory_space<vmem>>
    %dma_wait3A_497 = tpu.memref_squeeze %dma_wait3A_496 : memref<1x128xi32, #tpu.memory_space<vmem>> -> memref<128xi32, #tpu.memory_space<vmem>>
    %dma_wait3A_498 = arith.constant 0 : i32
    %dma_wait3A_499 = arith.constant 0 : i32
    %dma_wait3A_500 = tpu.memref_slice %arg2[%dma_wait3A_498, %dma_wait3A_499] : memref<800000x16xf32, #tpu.memory_space<hbm>> -> memref<800000x16xf32, #tpu.memory_space<hbm>>
    tpu.wait_indirect_dma semaphore(%arg9 : memref<!tpu.dma_semaphore, #tpu.memory_space<semaphore_mem>>) src(%dma_wait3A_500 : memref<800000x16xf32, #tpu.memory_space<hbm>>) dst(%arg7 : memref<128x16xf32, #tpu.memory_space<vmem>>)
    %dma_wait3A_501 = arith.constant 0 : i32
    %dma_wait3A_502 = arith.constant 0 : i32
    %dma_wait3A_503 = tpu.memref_slice %arg6[%dma_wait3A_501, %dma_wait3A_502] : memref<50x128xi32, #tpu.memory_space<vmem>> -> memref<1x128xi32, #tpu.memory_space<vmem>>
    %dma_wait3A_504 = tpu.memref_squeeze %dma_wait3A_503 : memref<1x128xi32, #tpu.memory_space<vmem>> -> memref<128xi32, #tpu.memory_space<vmem>>
    %dma_wait3A_505 = arith.constant 0 : i32
    %dma_wait3A_506 = arith.constant 0 : i32
    %dma_wait3A_507 = tpu.memref_slice %arg2[%dma_wait3A_505, %dma_wait3A_506] : memref<800000x16xf32, #tpu.memory_space<hbm>> -> memref<800000x16xf32, #tpu.memory_space<hbm>>
    tpu.wait_indirect_dma semaphore(%arg9 : memref<!tpu.dma_semaphore, #tpu.memory_space<semaphore_mem>>) src(%dma_wait3A_507 : memref<800000x16xf32, #tpu.memory_space<hbm>>) dst(%arg7 : memref<128x16xf32, #tpu.memory_space<vmem>>)
    %dma_wait3A_508 = arith.constant 0 : i32
    %dma_wait3A_509 = arith.constant 0 : i32
    %dma_wait3A_510 = tpu.memref_slice %arg6[%dma_wait3A_508, %dma_wait3A_509] : memref<50x128xi32, #tpu.memory_space<vmem>> -> memref<1x128xi32, #tpu.memory_space<vmem>>
    %dma_wait3A_511 = tpu.memref_squeeze %dma_wait3A_510 : memref<1x128xi32, #tpu.memory_space<vmem>> -> memref<128xi32, #tpu.memory_space<vmem>>
    %dma_wait3A_512 = arith.constant 0 : i32
    %dma_wait3A_513 = arith.constant 0 : i32
    %dma_wait3A_514 = tpu.memref_slice %arg2[%dma_wait3A_512, %dma_wait3A_513] : memref<800000x16xf32, #tpu.memory_space<hbm>> -> memref<800000x16xf32, #tpu.memory_space<hbm>>
    tpu.wait_indirect_dma semaphore(%arg9 : memref<!tpu.dma_semaphore, #tpu.memory_space<semaphore_mem>>) src(%dma_wait3A_514 : memref<800000x16xf32, #tpu.memory_space<hbm>>) dst(%arg7 : memref<128x16xf32, #tpu.memory_space<vmem>>)
    %dma_wait3A_515 = arith.constant 0 : i32
    %dma_wait3A_516 = arith.constant 0 : i32
    %dma_wait3A_517 = tpu.memref_slice %arg6[%dma_wait3A_515, %dma_wait3A_516] : memref<50x128xi32, #tpu.memory_space<vmem>> -> memref<1x128xi32, #tpu.memory_space<vmem>>
    %dma_wait3A_518 = tpu.memref_squeeze %dma_wait3A_517 : memref<1x128xi32, #tpu.memory_space<vmem>> -> memref<128xi32, #tpu.memory_space<vmem>>
    %dma_wait3A_519 = arith.constant 0 : i32
    %dma_wait3A_520 = arith.constant 0 : i32
    %dma_wait3A_521 = tpu.memref_slice %arg2[%dma_wait3A_519, %dma_wait3A_520] : memref<800000x16xf32, #tpu.memory_space<hbm>> -> memref<800000x16xf32, #tpu.memory_space<hbm>>
    tpu.wait_indirect_dma semaphore(%arg9 : memref<!tpu.dma_semaphore, #tpu.memory_space<semaphore_mem>>) src(%dma_wait3A_521 : memref<800000x16xf32, #tpu.memory_space<hbm>>) dst(%arg7 : memref<128x16xf32, #tpu.memory_space<vmem>>)
    %dma_wait3A_522 = arith.constant 0 : i32
    %dma_wait3A_523 = arith.constant 0 : i32
    %dma_wait3A_524 = tpu.memref_slice %arg6[%dma_wait3A_522, %dma_wait3A_523] : memref<50x128xi32, #tpu.memory_space<vmem>> -> memref<1x128xi32, #tpu.memory_space<vmem>>
    %dma_wait3A_525 = tpu.memref_squeeze %dma_wait3A_524 : memref<1x128xi32, #tpu.memory_space<vmem>> -> memref<128xi32, #tpu.memory_space<vmem>>
    %dma_wait3A_526 = arith.constant 0 : i32
    %dma_wait3A_527 = arith.constant 0 : i32
    %dma_wait3A_528 = tpu.memref_slice %arg2[%dma_wait3A_526, %dma_wait3A_527] : memref<800000x16xf32, #tpu.memory_space<hbm>> -> memref<800000x16xf32, #tpu.memory_space<hbm>>
    tpu.wait_indirect_dma semaphore(%arg9 : memref<!tpu.dma_semaphore, #tpu.memory_space<semaphore_mem>>) src(%dma_wait3A_528 : memref<800000x16xf32, #tpu.memory_space<hbm>>) dst(%arg7 : memref<128x16xf32, #tpu.memory_space<vmem>>)
    %dma_wait3A_529 = arith.constant 0 : i32
    %dma_wait3A_530 = arith.constant 0 : i32
    %dma_wait3A_531 = tpu.memref_slice %arg6[%dma_wait3A_529, %dma_wait3A_530] : memref<50x128xi32, #tpu.memory_space<vmem>> -> memref<1x128xi32, #tpu.memory_space<vmem>>
    %dma_wait3A_532 = tpu.memref_squeeze %dma_wait3A_531 : memref<1x128xi32, #tpu.memory_space<vmem>> -> memref<128xi32, #tpu.memory_space<vmem>>
    %dma_wait3A_533 = arith.constant 0 : i32
    %dma_wait3A_534 = arith.constant 0 : i32
    %dma_wait3A_535 = tpu.memref_slice %arg2[%dma_wait3A_533, %dma_wait3A_534] : memref<800000x16xf32, #tpu.memory_space<hbm>> -> memref<800000x16xf32, #tpu.memory_space<hbm>>
    tpu.wait_indirect_dma semaphore(%arg9 : memref<!tpu.dma_semaphore, #tpu.memory_space<semaphore_mem>>) src(%dma_wait3A_535 : memref<800000x16xf32, #tpu.memory_space<hbm>>) dst(%arg7 : memref<128x16xf32, #tpu.memory_space<vmem>>)
    %dma_wait3A_536 = arith.constant 0 : i32
    %dma_wait3A_537 = arith.constant 0 : i32
    %dma_wait3A_538 = tpu.memref_slice %arg6[%dma_wait3A_536, %dma_wait3A_537] : memref<50x128xi32, #tpu.memory_space<vmem>> -> memref<1x128xi32, #tpu.memory_space<vmem>>
    %dma_wait3A_539 = tpu.memref_squeeze %dma_wait3A_538 : memref<1x128xi32, #tpu.memory_space<vmem>> -> memref<128xi32, #tpu.memory_space<vmem>>
    %dma_wait3A_540 = arith.constant 0 : i32
    %dma_wait3A_541 = arith.constant 0 : i32
    %dma_wait3A_542 = tpu.memref_slice %arg2[%dma_wait3A_540, %dma_wait3A_541] : memref<800000x16xf32, #tpu.memory_space<hbm>> -> memref<800000x16xf32, #tpu.memory_space<hbm>>
    tpu.wait_indirect_dma semaphore(%arg9 : memref<!tpu.dma_semaphore, #tpu.memory_space<semaphore_mem>>) src(%dma_wait3A_542 : memref<800000x16xf32, #tpu.memory_space<hbm>>) dst(%arg7 : memref<128x16xf32, #tpu.memory_space<vmem>>)
    %dma_wait3A_543 = arith.constant 0 : i32
    %dma_wait3A_544 = arith.constant 0 : i32
    %dma_wait3A_545 = tpu.memref_slice %arg6[%dma_wait3A_543, %dma_wait3A_544] : memref<50x128xi32, #tpu.memory_space<vmem>> -> memref<1x128xi32, #tpu.memory_space<vmem>>
    %dma_wait3A_546 = tpu.memref_squeeze %dma_wait3A_545 : memref<1x128xi32, #tpu.memory_space<vmem>> -> memref<128xi32, #tpu.memory_space<vmem>>
    %dma_wait3A_547 = arith.constant 0 : i32
    %dma_wait3A_548 = arith.constant 0 : i32
    %dma_wait3A_549 = tpu.memref_slice %arg2[%dma_wait3A_547, %dma_wait3A_548] : memref<800000x16xf32, #tpu.memory_space<hbm>> -> memref<800000x16xf32, #tpu.memory_space<hbm>>
    tpu.wait_indirect_dma semaphore(%arg9 : memref<!tpu.dma_semaphore, #tpu.memory_space<semaphore_mem>>) src(%dma_wait3A_549 : memref<800000x16xf32, #tpu.memory_space<hbm>>) dst(%arg7 : memref<128x16xf32, #tpu.memory_space<vmem>>)
    %dma_wait3A_550 = arith.constant 0 : i32
    %dma_wait3A_551 = arith.constant 0 : i32
    %dma_wait3A_552 = tpu.memref_slice %arg6[%dma_wait3A_550, %dma_wait3A_551] : memref<50x128xi32, #tpu.memory_space<vmem>> -> memref<1x128xi32, #tpu.memory_space<vmem>>
    %dma_wait3A_553 = tpu.memref_squeeze %dma_wait3A_552 : memref<1x128xi32, #tpu.memory_space<vmem>> -> memref<128xi32, #tpu.memory_space<vmem>>
    %dma_wait3A_554 = arith.constant 0 : i32
    %dma_wait3A_555 = arith.constant 0 : i32
    %dma_wait3A_556 = tpu.memref_slice %arg2[%dma_wait3A_554, %dma_wait3A_555] : memref<800000x16xf32, #tpu.memory_space<hbm>> -> memref<800000x16xf32, #tpu.memory_space<hbm>>
    tpu.wait_indirect_dma semaphore(%arg9 : memref<!tpu.dma_semaphore, #tpu.memory_space<semaphore_mem>>) src(%dma_wait3A_556 : memref<800000x16xf32, #tpu.memory_space<hbm>>) dst(%arg7 : memref<128x16xf32, #tpu.memory_space<vmem>>)
    %dma_wait3A_557 = arith.constant 0 : i32
    %dma_wait3A_558 = arith.constant 0 : i32
    %dma_wait3A_559 = tpu.memref_slice %arg6[%dma_wait3A_557, %dma_wait3A_558] : memref<50x128xi32, #tpu.memory_space<vmem>> -> memref<1x128xi32, #tpu.memory_space<vmem>>
    %dma_wait3A_560 = tpu.memref_squeeze %dma_wait3A_559 : memref<1x128xi32, #tpu.memory_space<vmem>> -> memref<128xi32, #tpu.memory_space<vmem>>
    %dma_wait3A_561 = arith.constant 0 : i32
    %dma_wait3A_562 = arith.constant 0 : i32
    %dma_wait3A_563 = tpu.memref_slice %arg2[%dma_wait3A_561, %dma_wait3A_562] : memref<800000x16xf32, #tpu.memory_space<hbm>> -> memref<800000x16xf32, #tpu.memory_space<hbm>>
    tpu.wait_indirect_dma semaphore(%arg9 : memref<!tpu.dma_semaphore, #tpu.memory_space<semaphore_mem>>) src(%dma_wait3A_563 : memref<800000x16xf32, #tpu.memory_space<hbm>>) dst(%arg7 : memref<128x16xf32, #tpu.memory_space<vmem>>)
    %dma_wait3A_564 = arith.constant 0 : i32
    %dma_wait3A_565 = arith.constant 0 : i32
    %dma_wait3A_566 = tpu.memref_slice %arg6[%dma_wait3A_564, %dma_wait3A_565] : memref<50x128xi32, #tpu.memory_space<vmem>> -> memref<1x128xi32, #tpu.memory_space<vmem>>
    %dma_wait3A_567 = tpu.memref_squeeze %dma_wait3A_566 : memref<1x128xi32, #tpu.memory_space<vmem>> -> memref<128xi32, #tpu.memory_space<vmem>>
    %dma_wait3A_568 = arith.constant 0 : i32
    %dma_wait3A_569 = arith.constant 0 : i32
    %dma_wait3A_570 = tpu.memref_slice %arg2[%dma_wait3A_568, %dma_wait3A_569] : memref<800000x16xf32, #tpu.memory_space<hbm>> -> memref<800000x16xf32, #tpu.memory_space<hbm>>
    tpu.wait_indirect_dma semaphore(%arg9 : memref<!tpu.dma_semaphore, #tpu.memory_space<semaphore_mem>>) src(%dma_wait3A_570 : memref<800000x16xf32, #tpu.memory_space<hbm>>) dst(%arg7 : memref<128x16xf32, #tpu.memory_space<vmem>>)
    %scan3A_571 = arith.constant 1 : i32
    %dma_wait3A_572 = arith.constant 0 : i32
    %dma_wait3A_573 = arith.constant 0 : i32
    %dma_wait3A_574 = tpu.memref_slice %arg6[%dma_wait3A_572, %dma_wait3A_573] : memref<50x128xi32, #tpu.memory_space<vmem>> -> memref<1x128xi32, #tpu.memory_space<vmem>>
    %dma_wait3A_575 = tpu.memref_squeeze %dma_wait3A_574 : memref<1x128xi32, #tpu.memory_space<vmem>> -> memref<128xi32, #tpu.memory_space<vmem>>
    %dma_wait3A_576 = arith.constant 0 : i32
    %dma_wait3A_577 = arith.constant 0 : i32
    %dma_wait3A_578 = tpu.memref_slice %arg2[%dma_wait3A_576, %dma_wait3A_577] : memref<800000x16xf32, #tpu.memory_space<hbm>> -> memref<800000x16xf32, #tpu.memory_space<hbm>>
    tpu.wait_indirect_dma semaphore(%arg9 : memref<!tpu.dma_semaphore, #tpu.memory_space<semaphore_mem>>) src(%dma_wait3A_578 : memref<800000x16xf32, #tpu.memory_space<hbm>>) dst(%arg7 : memref<128x16xf32, #tpu.memory_space<vmem>>)
    %dma_wait3A_579 = arith.constant 0 : i32
    %dma_wait3A_580 = arith.constant 0 : i32
    %dma_wait3A_581 = tpu.memref_slice %arg6[%dma_wait3A_579, %dma_wait3A_580] : memref<50x128xi32, #tpu.memory_space<vmem>> -> memref<1x128xi32, #tpu.memory_space<vmem>>
    %dma_wait3A_582 = tpu.memref_squeeze %dma_wait3A_581 : memref<1x128xi32, #tpu.memory_space<vmem>> -> memref<128xi32, #tpu.memory_space<vmem>>
    %dma_wait3A_583 = arith.constant 0 : i32
    %dma_wait3A_584 = arith.constant 0 : i32
    %dma_wait3A_585 = tpu.memref_slice %arg2[%dma_wait3A_583, %dma_wait3A_584] : memref<800000x16xf32, #tpu.memory_space<hbm>> -> memref<800000x16xf32, #tpu.memory_space<hbm>>
    tpu.wait_indirect_dma semaphore(%arg9 : memref<!tpu.dma_semaphore, #tpu.memory_space<semaphore_mem>>) src(%dma_wait3A_585 : memref<800000x16xf32, #tpu.memory_space<hbm>>) dst(%arg7 : memref<128x16xf32, #tpu.memory_space<vmem>>)
    %dma_wait3A_586 = arith.constant 0 : i32
    %dma_wait3A_587 = arith.constant 0 : i32
    %dma_wait3A_588 = tpu.memref_slice %arg6[%dma_wait3A_586, %dma_wait3A_587] : memref<50x128xi32, #tpu.memory_space<vmem>> -> memref<1x128xi32, #tpu.memory_space<vmem>>
    %dma_wait3A_589 = tpu.memref_squeeze %dma_wait3A_588 : memref<1x128xi32, #tpu.memory_space<vmem>> -> memref<128xi32, #tpu.memory_space<vmem>>
    %dma_wait3A_590 = arith.constant 0 : i32
    %dma_wait3A_591 = arith.constant 0 : i32
    %dma_wait3A_592 = tpu.memref_slice %arg2[%dma_wait3A_590, %dma_wait3A_591] : memref<800000x16xf32, #tpu.memory_space<hbm>> -> memref<800000x16xf32, #tpu.memory_space<hbm>>
    tpu.wait_indirect_dma semaphore(%arg9 : memref<!tpu.dma_semaphore, #tpu.memory_space<semaphore_mem>>) src(%dma_wait3A_592 : memref<800000x16xf32, #tpu.memory_space<hbm>>) dst(%arg7 : memref<128x16xf32, #tpu.memory_space<vmem>>)
    %dma_wait3A_593 = arith.constant 0 : i32
    %dma_wait3A_594 = arith.constant 0 : i32
    %dma_wait3A_595 = tpu.memref_slice %arg6[%dma_wait3A_593, %dma_wait3A_594] : memref<50x128xi32, #tpu.memory_space<vmem>> -> memref<1x128xi32, #tpu.memory_space<vmem>>
    %dma_wait3A_596 = tpu.memref_squeeze %dma_wait3A_595 : memref<1x128xi32, #tpu.memory_space<vmem>> -> memref<128xi32, #tpu.memory_space<vmem>>
    %dma_wait3A_597 = arith.constant 0 : i32
    %dma_wait3A_598 = arith.constant 0 : i32
    %dma_wait3A_599 = tpu.memref_slice %arg2[%dma_wait3A_597, %dma_wait3A_598] : memref<800000x16xf32, #tpu.memory_space<hbm>> -> memref<800000x16xf32, #tpu.memory_space<hbm>>
    tpu.wait_indirect_dma semaphore(%arg9 : memref<!tpu.dma_semaphore, #tpu.memory_space<semaphore_mem>>) src(%dma_wait3A_599 : memref<800000x16xf32, #tpu.memory_space<hbm>>) dst(%arg7 : memref<128x16xf32, #tpu.memory_space<vmem>>)
    %dma_wait3A_600 = arith.constant 0 : i32
    %dma_wait3A_601 = arith.constant 0 : i32
    %dma_wait3A_602 = tpu.memref_slice %arg6[%dma_wait3A_600, %dma_wait3A_601] : memref<50x128xi32, #tpu.memory_space<vmem>> -> memref<1x128xi32, #tpu.memory_space<vmem>>
    %dma_wait3A_603 = tpu.memref_squeeze %dma_wait3A_602 : memref<1x128xi32, #tpu.memory_space<vmem>> -> memref<128xi32, #tpu.memory_space<vmem>>
    %dma_wait3A_604 = arith.constant 0 : i32
    %dma_wait3A_605 = arith.constant 0 : i32
    %dma_wait3A_606 = tpu.memref_slice %arg2[%dma_wait3A_604, %dma_wait3A_605] : memref<800000x16xf32, #tpu.memory_space<hbm>> -> memref<800000x16xf32, #tpu.memory_space<hbm>>
    tpu.wait_indirect_dma semaphore(%arg9 : memref<!tpu.dma_semaphore, #tpu.memory_space<semaphore_mem>>) src(%dma_wait3A_606 : memref<800000x16xf32, #tpu.memory_space<hbm>>) dst(%arg7 : memref<128x16xf32, #tpu.memory_space<vmem>>)
    %dma_wait3A_607 = arith.constant 0 : i32
    %dma_wait3A_608 = arith.constant 0 : i32
    %dma_wait3A_609 = tpu.memref_slice %arg6[%dma_wait3A_607, %dma_wait3A_608] : memref<50x128xi32, #tpu.memory_space<vmem>> -> memref<1x128xi32, #tpu.memory_space<vmem>>
    %dma_wait3A_610 = tpu.memref_squeeze %dma_wait3A_609 : memref<1x128xi32, #tpu.memory_space<vmem>> -> memref<128xi32, #tpu.memory_space<vmem>>
    %dma_wait3A_611 = arith.constant 0 : i32
    %dma_wait3A_612 = arith.constant 0 : i32
    %dma_wait3A_613 = tpu.memref_slice %arg2[%dma_wait3A_611, %dma_wait3A_612] : memref<800000x16xf32, #tpu.memory_space<hbm>> -> memref<800000x16xf32, #tpu.memory_space<hbm>>
    tpu.wait_indirect_dma semaphore(%arg9 : memref<!tpu.dma_semaphore, #tpu.memory_space<semaphore_mem>>) src(%dma_wait3A_613 : memref<800000x16xf32, #tpu.memory_space<hbm>>) dst(%arg7 : memref<128x16xf32, #tpu.memory_space<vmem>>)
    %dma_wait3A_614 = arith.constant 0 : i32
    %dma_wait3A_615 = arith.constant 0 : i32
    %dma_wait3A_616 = tpu.memref_slice %arg6[%dma_wait3A_614, %dma_wait3A_615] : memref<50x128xi32, #tpu.memory_space<vmem>> -> memref<1x128xi32, #tpu.memory_space<vmem>>
    %dma_wait3A_617 = tpu.memref_squeeze %dma_wait3A_616 : memref<1x128xi32, #tpu.memory_space<vmem>> -> memref<128xi32, #tpu.memory_space<vmem>>
    %dma_wait3A_618 = arith.constant 0 : i32
    %dma_wait3A_619 = arith.constant 0 : i32
    %dma_wait3A_620 = tpu.memref_slice %arg2[%dma_wait3A_618, %dma_wait3A_619] : memref<800000x16xf32, #tpu.memory_space<hbm>> -> memref<800000x16xf32, #tpu.memory_space<hbm>>
    tpu.wait_indirect_dma semaphore(%arg9 : memref<!tpu.dma_semaphore, #tpu.memory_space<semaphore_mem>>) src(%dma_wait3A_620 : memref<800000x16xf32, #tpu.memory_space<hbm>>) dst(%arg7 : memref<128x16xf32, #tpu.memory_space<vmem>>)
    %dma_wait3A_621 = arith.constant 0 : i32
    %dma_wait3A_622 = arith.constant 0 : i32
    %dma_wait3A_623 = tpu.memref_slice %arg6[%dma_wait3A_621, %dma_wait3A_622] : memref<50x128xi32, #tpu.memory_space<vmem>> -> memref<1x128xi32, #tpu.memory_space<vmem>>
    %dma_wait3A_624 = tpu.memref_squeeze %dma_wait3A_623 : memref<1x128xi32, #tpu.memory_space<vmem>> -> memref<128xi32, #tpu.memory_space<vmem>>
    %dma_wait3A_625 = arith.constant 0 : i32
    %dma_wait3A_626 = arith.constant 0 : i32
    %dma_wait3A_627 = tpu.memref_slice %arg2[%dma_wait3A_625, %dma_wait3A_626] : memref<800000x16xf32, #tpu.memory_space<hbm>> -> memref<800000x16xf32, #tpu.memory_space<hbm>>
    tpu.wait_indirect_dma semaphore(%arg9 : memref<!tpu.dma_semaphore, #tpu.memory_space<semaphore_mem>>) src(%dma_wait3A_627 : memref<800000x16xf32, #tpu.memory_space<hbm>>) dst(%arg7 : memref<128x16xf32, #tpu.memory_space<vmem>>)
    %dma_wait3A_628 = arith.constant 0 : i32
    %dma_wait3A_629 = arith.constant 0 : i32
    %dma_wait3A_630 = tpu.memref_slice %arg6[%dma_wait3A_628, %dma_wait3A_629] : memref<50x128xi32, #tpu.memory_space<vmem>> -> memref<1x128xi32, #tpu.memory_space<vmem>>
    %dma_wait3A_631 = tpu.memref_squeeze %dma_wait3A_630 : memref<1x128xi32, #tpu.memory_space<vmem>> -> memref<128xi32, #tpu.memory_space<vmem>>
    %dma_wait3A_632 = arith.constant 0 : i32
    %dma_wait3A_633 = arith.constant 0 : i32
    %dma_wait3A_634 = tpu.memref_slice %arg2[%dma_wait3A_632, %dma_wait3A_633] : memref<800000x16xf32, #tpu.memory_space<hbm>> -> memref<800000x16xf32, #tpu.memory_space<hbm>>
    tpu.wait_indirect_dma semaphore(%arg9 : memref<!tpu.dma_semaphore, #tpu.memory_space<semaphore_mem>>) src(%dma_wait3A_634 : memref<800000x16xf32, #tpu.memory_space<hbm>>) dst(%arg7 : memref<128x16xf32, #tpu.memory_space<vmem>>)
    %dma_wait3A_635 = arith.constant 0 : i32
    %dma_wait3A_636 = arith.constant 0 : i32
    %dma_wait3A_637 = tpu.memref_slice %arg6[%dma_wait3A_635, %dma_wait3A_636] : memref<50x128xi32, #tpu.memory_space<vmem>> -> memref<1x128xi32, #tpu.memory_space<vmem>>
    %dma_wait3A_638 = tpu.memref_squeeze %dma_wait3A_637 : memref<1x128xi32, #tpu.memory_space<vmem>> -> memref<128xi32, #tpu.memory_space<vmem>>
    %dma_wait3A_639 = arith.constant 0 : i32
    %dma_wait3A_640 = arith.constant 0 : i32
    %dma_wait3A_641 = tpu.memref_slice %arg2[%dma_wait3A_639, %dma_wait3A_640] : memref<800000x16xf32, #tpu.memory_space<hbm>> -> memref<800000x16xf32, #tpu.memory_space<hbm>>
    tpu.wait_indirect_dma semaphore(%arg9 : memref<!tpu.dma_semaphore, #tpu.memory_space<semaphore_mem>>) src(%dma_wait3A_641 : memref<800000x16xf32, #tpu.memory_space<hbm>>) dst(%arg7 : memref<128x16xf32, #tpu.memory_space<vmem>>)
    %dma_wait3A_642 = arith.constant 0 : i32
    %dma_wait3A_643 = arith.constant 0 : i32
    %dma_wait3A_644 = tpu.memref_slice %arg6[%dma_wait3A_642, %dma_wait3A_643] : memref<50x128xi32, #tpu.memory_space<vmem>> -> memref<1x128xi32, #tpu.memory_space<vmem>>
    %dma_wait3A_645 = tpu.memref_squeeze %dma_wait3A_644 : memref<1x128xi32, #tpu.memory_space<vmem>> -> memref<128xi32, #tpu.memory_space<vmem>>
    %dma_wait3A_646 = arith.constant 0 : i32
    %dma_wait3A_647 = arith.constant 0 : i32
    %dma_wait3A_648 = tpu.memref_slice %arg2[%dma_wait3A_646, %dma_wait3A_647] : memref<800000x16xf32, #tpu.memory_space<hbm>> -> memref<800000x16xf32, #tpu.memory_space<hbm>>
    tpu.wait_indirect_dma semaphore(%arg9 : memref<!tpu.dma_semaphore, #tpu.memory_space<semaphore_mem>>) src(%dma_wait3A_648 : memref<800000x16xf32, #tpu.memory_space<hbm>>) dst(%arg7 : memref<128x16xf32, #tpu.memory_space<vmem>>)
    %dma_wait3A_649 = arith.constant 0 : i32
    %dma_wait3A_650 = arith.constant 0 : i32
    %dma_wait3A_651 = tpu.memref_slice %arg6[%dma_wait3A_649, %dma_wait3A_650] : memref<50x128xi32, #tpu.memory_space<vmem>> -> memref<1x128xi32, #tpu.memory_space<vmem>>
    %dma_wait3A_652 = tpu.memref_squeeze %dma_wait3A_651 : memref<1x128xi32, #tpu.memory_space<vmem>> -> memref<128xi32, #tpu.memory_space<vmem>>
    %dma_wait3A_653 = arith.constant 0 : i32
    %dma_wait3A_654 = arith.constant 0 : i32
    %dma_wait3A_655 = tpu.memref_slice %arg2[%dma_wait3A_653, %dma_wait3A_654] : memref<800000x16xf32, #tpu.memory_space<hbm>> -> memref<800000x16xf32, #tpu.memory_space<hbm>>
    tpu.wait_indirect_dma semaphore(%arg9 : memref<!tpu.dma_semaphore, #tpu.memory_space<semaphore_mem>>) src(%dma_wait3A_655 : memref<800000x16xf32, #tpu.memory_space<hbm>>) dst(%arg7 : memref<128x16xf32, #tpu.memory_space<vmem>>)
    %dma_wait3A_656 = arith.constant 0 : i32
    %dma_wait3A_657 = arith.constant 0 : i32
    %dma_wait3A_658 = tpu.memref_slice %arg6[%dma_wait3A_656, %dma_wait3A_657] : memref<50x128xi32, #tpu.memory_space<vmem>> -> memref<1x128xi32, #tpu.memory_space<vmem>>
    %dma_wait3A_659 = tpu.memref_squeeze %dma_wait3A_658 : memref<1x128xi32, #tpu.memory_space<vmem>> -> memref<128xi32, #tpu.memory_space<vmem>>
    %dma_wait3A_660 = arith.constant 0 : i32
    %dma_wait3A_661 = arith.constant 0 : i32
    %dma_wait3A_662 = tpu.memref_slice %arg2[%dma_wait3A_660, %dma_wait3A_661] : memref<800000x16xf32, #tpu.memory_space<hbm>> -> memref<800000x16xf32, #tpu.memory_space<hbm>>
    tpu.wait_indirect_dma semaphore(%arg9 : memref<!tpu.dma_semaphore, #tpu.memory_space<semaphore_mem>>) src(%dma_wait3A_662 : memref<800000x16xf32, #tpu.memory_space<hbm>>) dst(%arg7 : memref<128x16xf32, #tpu.memory_space<vmem>>)
    %dma_wait3A_663 = arith.constant 0 : i32
    %dma_wait3A_664 = arith.constant 0 : i32
    %dma_wait3A_665 = tpu.memref_slice %arg6[%dma_wait3A_663, %dma_wait3A_664] : memref<50x128xi32, #tpu.memory_space<vmem>> -> memref<1x128xi32, #tpu.memory_space<vmem>>
    %dma_wait3A_666 = tpu.memref_squeeze %dma_wait3A_665 : memref<1x128xi32, #tpu.memory_space<vmem>> -> memref<128xi32, #tpu.memory_space<vmem>>
    %dma_wait3A_667 = arith.constant 0 : i32
    %dma_wait3A_668 = arith.constant 0 : i32
    %dma_wait3A_669 = tpu.memref_slice %arg2[%dma_wait3A_667, %dma_wait3A_668] : memref<800000x16xf32, #tpu.memory_space<hbm>> -> memref<800000x16xf32, #tpu.memory_space<hbm>>
    tpu.wait_indirect_dma semaphore(%arg9 : memref<!tpu.dma_semaphore, #tpu.memory_space<semaphore_mem>>) src(%dma_wait3A_669 : memref<800000x16xf32, #tpu.memory_space<hbm>>) dst(%arg7 : memref<128x16xf32, #tpu.memory_space<vmem>>)
    %dma_wait3A_670 = arith.constant 0 : i32
    %dma_wait3A_671 = arith.constant 0 : i32
    %dma_wait3A_672 = tpu.memref_slice %arg6[%dma_wait3A_670, %dma_wait3A_671] : memref<50x128xi32, #tpu.memory_space<vmem>> -> memref<1x128xi32, #tpu.memory_space<vmem>>
    %dma_wait3A_673 = tpu.memref_squeeze %dma_wait3A_672 : memref<1x128xi32, #tpu.memory_space<vmem>> -> memref<128xi32, #tpu.memory_space<vmem>>
    %dma_wait3A_674 = arith.constant 0 : i32
    %dma_wait3A_675 = arith.constant 0 : i32
    %dma_wait3A_676 = tpu.memref_slice %arg2[%dma_wait3A_674, %dma_wait3A_675] : memref<800000x16xf32, #tpu.memory_space<hbm>> -> memref<800000x16xf32, #tpu.memory_space<hbm>>
    tpu.wait_indirect_dma semaphore(%arg9 : memref<!tpu.dma_semaphore, #tpu.memory_space<semaphore_mem>>) src(%dma_wait3A_676 : memref<800000x16xf32, #tpu.memory_space<hbm>>) dst(%arg7 : memref<128x16xf32, #tpu.memory_space<vmem>>)
    %dma_wait3A_677 = arith.constant 0 : i32
    %dma_wait3A_678 = arith.constant 0 : i32
    %dma_wait3A_679 = tpu.memref_slice %arg6[%dma_wait3A_677, %dma_wait3A_678] : memref<50x128xi32, #tpu.memory_space<vmem>> -> memref<1x128xi32, #tpu.memory_space<vmem>>
    %dma_wait3A_680 = tpu.memref_squeeze %dma_wait3A_679 : memref<1x128xi32, #tpu.memory_space<vmem>> -> memref<128xi32, #tpu.memory_space<vmem>>
    %dma_wait3A_681 = arith.constant 0 : i32
    %dma_wait3A_682 = arith.constant 0 : i32
    %dma_wait3A_683 = tpu.memref_slice %arg2[%dma_wait3A_681, %dma_wait3A_682] : memref<800000x16xf32, #tpu.memory_space<hbm>> -> memref<800000x16xf32, #tpu.memory_space<hbm>>
    tpu.wait_indirect_dma semaphore(%arg9 : memref<!tpu.dma_semaphore, #tpu.memory_space<semaphore_mem>>) src(%dma_wait3A_683 : memref<800000x16xf32, #tpu.memory_space<hbm>>) dst(%arg7 : memref<128x16xf32, #tpu.memory_space<vmem>>)
    %dma_wait3A_684 = arith.constant 0 : i32
    %dma_wait3A_685 = arith.constant 0 : i32
    %dma_wait3A_686 = tpu.memref_slice %arg6[%dma_wait3A_684, %dma_wait3A_685] : memref<50x128xi32, #tpu.memory_space<vmem>> -> memref<1x128xi32, #tpu.memory_space<vmem>>
    %dma_wait3A_687 = tpu.memref_squeeze %dma_wait3A_686 : memref<1x128xi32, #tpu.memory_space<vmem>> -> memref<128xi32, #tpu.memory_space<vmem>>
    %dma_wait3A_688 = arith.constant 0 : i32
    %dma_wait3A_689 = arith.constant 0 : i32
    %dma_wait3A_690 = tpu.memref_slice %arg2[%dma_wait3A_688, %dma_wait3A_689] : memref<800000x16xf32, #tpu.memory_space<hbm>> -> memref<800000x16xf32, #tpu.memory_space<hbm>>
    tpu.wait_indirect_dma semaphore(%arg9 : memref<!tpu.dma_semaphore, #tpu.memory_space<semaphore_mem>>) src(%dma_wait3A_690 : memref<800000x16xf32, #tpu.memory_space<hbm>>) dst(%arg7 : memref<128x16xf32, #tpu.memory_space<vmem>>)
    %dma_wait3A_691 = arith.constant 0 : i32
    %dma_wait3A_692 = arith.constant 0 : i32
    %dma_wait3A_693 = tpu.memref_slice %arg6[%dma_wait3A_691, %dma_wait3A_692] : memref<50x128xi32, #tpu.memory_space<vmem>> -> memref<1x128xi32, #tpu.memory_space<vmem>>
    %dma_wait3A_694 = tpu.memref_squeeze %dma_wait3A_693 : memref<1x128xi32, #tpu.memory_space<vmem>> -> memref<128xi32, #tpu.memory_space<vmem>>
    %dma_wait3A_695 = arith.constant 0 : i32
    %dma_wait3A_696 = arith.constant 0 : i32
    %dma_wait3A_697 = tpu.memref_slice %arg2[%dma_wait3A_695, %dma_wait3A_696] : memref<800000x16xf32, #tpu.memory_space<hbm>> -> memref<800000x16xf32, #tpu.memory_space<hbm>>
    tpu.wait_indirect_dma semaphore(%arg9 : memref<!tpu.dma_semaphore, #tpu.memory_space<semaphore_mem>>) src(%dma_wait3A_697 : memref<800000x16xf32, #tpu.memory_space<hbm>>) dst(%arg7 : memref<128x16xf32, #tpu.memory_space<vmem>>)
    %dma_wait3A_698 = arith.constant 0 : i32
    %dma_wait3A_699 = arith.constant 0 : i32
    %dma_wait3A_700 = tpu.memref_slice %arg6[%dma_wait3A_698, %dma_wait3A_699] : memref<50x128xi32, #tpu.memory_space<vmem>> -> memref<1x128xi32, #tpu.memory_space<vmem>>
    %dma_wait3A_701 = tpu.memref_squeeze %dma_wait3A_700 : memref<1x128xi32, #tpu.memory_space<vmem>> -> memref<128xi32, #tpu.memory_space<vmem>>
    %dma_wait3A_702 = arith.constant 0 : i32
    %dma_wait3A_703 = arith.constant 0 : i32
    %dma_wait3A_704 = tpu.memref_slice %arg2[%dma_wait3A_702, %dma_wait3A_703] : memref<800000x16xf32, #tpu.memory_space<hbm>> -> memref<800000x16xf32, #tpu.memory_space<hbm>>
    tpu.wait_indirect_dma semaphore(%arg9 : memref<!tpu.dma_semaphore, #tpu.memory_space<semaphore_mem>>) src(%dma_wait3A_704 : memref<800000x16xf32, #tpu.memory_space<hbm>>) dst(%arg7 : memref<128x16xf32, #tpu.memory_space<vmem>>)
    %dma_wait3A_705 = arith.constant 0 : i32
    %dma_wait3A_706 = arith.constant 0 : i32
    %dma_wait3A_707 = tpu.memref_slice %arg6[%dma_wait3A_705, %dma_wait3A_706] : memref<50x128xi32, #tpu.memory_space<vmem>> -> memref<1x128xi32, #tpu.memory_space<vmem>>
    %dma_wait3A_708 = tpu.memref_squeeze %dma_wait3A_707 : memref<1x128xi32, #tpu.memory_space<vmem>> -> memref<128xi32, #tpu.memory_space<vmem>>
    %dma_wait3A_709 = arith.constant 0 : i32
    %dma_wait3A_710 = arith.constant 0 : i32
    %dma_wait3A_711 = tpu.memref_slice %arg2[%dma_wait3A_709, %dma_wait3A_710] : memref<800000x16xf32, #tpu.memory_space<hbm>> -> memref<800000x16xf32, #tpu.memory_space<hbm>>
    tpu.wait_indirect_dma semaphore(%arg9 : memref<!tpu.dma_semaphore, #tpu.memory_space<semaphore_mem>>) src(%dma_wait3A_711 : memref<800000x16xf32, #tpu.memory_space<hbm>>) dst(%arg7 : memref<128x16xf32, #tpu.memory_space<vmem>>)
    %dma_wait3A_712 = arith.constant 0 : i32
    %dma_wait3A_713 = arith.constant 0 : i32
    %dma_wait3A_714 = tpu.memref_slice %arg6[%dma_wait3A_712, %dma_wait3A_713] : memref<50x128xi32, #tpu.memory_space<vmem>> -> memref<1x128xi32, #tpu.memory_space<vmem>>
    %dma_wait3A_715 = tpu.memref_squeeze %dma_wait3A_714 : memref<1x128xi32, #tpu.memory_space<vmem>> -> memref<128xi32, #tpu.memory_space<vmem>>
    %dma_wait3A_716 = arith.constant 0 : i32
    %dma_wait3A_717 = arith.constant 0 : i32
    %dma_wait3A_718 = tpu.memref_slice %arg2[%dma_wait3A_716, %dma_wait3A_717] : memref<800000x16xf32, #tpu.memory_space<hbm>> -> memref<800000x16xf32, #tpu.memory_space<hbm>>
    tpu.wait_indirect_dma semaphore(%arg9 : memref<!tpu.dma_semaphore, #tpu.memory_space<semaphore_mem>>) src(%dma_wait3A_718 : memref<800000x16xf32, #tpu.memory_space<hbm>>) dst(%arg7 : memref<128x16xf32, #tpu.memory_space<vmem>>)
    %dma_wait3A_719 = arith.constant 0 : i32
    %dma_wait3A_720 = arith.constant 0 : i32
    %dma_wait3A_721 = tpu.memref_slice %arg6[%dma_wait3A_719, %dma_wait3A_720] : memref<50x128xi32, #tpu.memory_space<vmem>> -> memref<1x128xi32, #tpu.memory_space<vmem>>
    %dma_wait3A_722 = tpu.memref_squeeze %dma_wait3A_721 : memref<1x128xi32, #tpu.memory_space<vmem>> -> memref<128xi32, #tpu.memory_space<vmem>>
    %dma_wait3A_723 = arith.constant 0 : i32
    %dma_wait3A_724 = arith.constant 0 : i32
    %dma_wait3A_725 = tpu.memref_slice %arg2[%dma_wait3A_723, %dma_wait3A_724] : memref<800000x16xf32, #tpu.memory_space<hbm>> -> memref<800000x16xf32, #tpu.memory_space<hbm>>
    tpu.wait_indirect_dma semaphore(%arg9 : memref<!tpu.dma_semaphore, #tpu.memory_space<semaphore_mem>>) src(%dma_wait3A_725 : memref<800000x16xf32, #tpu.memory_space<hbm>>) dst(%arg7 : memref<128x16xf32, #tpu.memory_space<vmem>>)
    %dma_wait3A_726 = arith.constant 0 : i32
    %dma_wait3A_727 = arith.constant 0 : i32
    %dma_wait3A_728 = tpu.memref_slice %arg6[%dma_wait3A_726, %dma_wait3A_727] : memref<50x128xi32, #tpu.memory_space<vmem>> -> memref<1x128xi32, #tpu.memory_space<vmem>>
    %dma_wait3A_729 = tpu.memref_squeeze %dma_wait3A_728 : memref<1x128xi32, #tpu.memory_space<vmem>> -> memref<128xi32, #tpu.memory_space<vmem>>
    %dma_wait3A_730 = arith.constant 0 : i32
    %dma_wait3A_731 = arith.constant 0 : i32
    %dma_wait3A_732 = tpu.memref_slice %arg2[%dma_wait3A_730, %dma_wait3A_731] : memref<800000x16xf32, #tpu.memory_space<hbm>> -> memref<800000x16xf32, #tpu.memory_space<hbm>>
    tpu.wait_indirect_dma semaphore(%arg9 : memref<!tpu.dma_semaphore, #tpu.memory_space<semaphore_mem>>) src(%dma_wait3A_732 : memref<800000x16xf32, #tpu.memory_space<hbm>>) dst(%arg7 : memref<128x16xf32, #tpu.memory_space<vmem>>)
    %dma_wait3A_733 = arith.constant 0 : i32
    %dma_wait3A_734 = arith.constant 0 : i32
    %dma_wait3A_735 = tpu.memref_slice %arg6[%dma_wait3A_733, %dma_wait3A_734] : memref<50x128xi32, #tpu.memory_space<vmem>> -> memref<1x128xi32, #tpu.memory_space<vmem>>
    %dma_wait3A_736 = tpu.memref_squeeze %dma_wait3A_735 : memref<1x128xi32, #tpu.memory_space<vmem>> -> memref<128xi32, #tpu.memory_space<vmem>>
    %dma_wait3A_737 = arith.constant 0 : i32
    %dma_wait3A_738 = arith.constant 0 : i32
    %dma_wait3A_739 = tpu.memref_slice %arg2[%dma_wait3A_737, %dma_wait3A_738] : memref<800000x16xf32, #tpu.memory_space<hbm>> -> memref<800000x16xf32, #tpu.memory_space<hbm>>
    tpu.wait_indirect_dma semaphore(%arg9 : memref<!tpu.dma_semaphore, #tpu.memory_space<semaphore_mem>>) src(%dma_wait3A_739 : memref<800000x16xf32, #tpu.memory_space<hbm>>) dst(%arg7 : memref<128x16xf32, #tpu.memory_space<vmem>>)
    %dma_wait3A_740 = arith.constant 0 : i32
    %dma_wait3A_741 = arith.constant 0 : i32
    %dma_wait3A_742 = tpu.memref_slice %arg6[%dma_wait3A_740, %dma_wait3A_741] : memref<50x128xi32, #tpu.memory_space<vmem>> -> memref<1x128xi32, #tpu.memory_space<vmem>>
    %dma_wait3A_743 = tpu.memref_squeeze %dma_wait3A_742 : memref<1x128xi32, #tpu.memory_space<vmem>> -> memref<128xi32, #tpu.memory_space<vmem>>
    %dma_wait3A_744 = arith.constant 0 : i32
    %dma_wait3A_745 = arith.constant 0 : i32
    %dma_wait3A_746 = tpu.memref_slice %arg2[%dma_wait3A_744, %dma_wait3A_745] : memref<800000x16xf32, #tpu.memory_space<hbm>> -> memref<800000x16xf32, #tpu.memory_space<hbm>>
    tpu.wait_indirect_dma semaphore(%arg9 : memref<!tpu.dma_semaphore, #tpu.memory_space<semaphore_mem>>) src(%dma_wait3A_746 : memref<800000x16xf32, #tpu.memory_space<hbm>>) dst(%arg7 : memref<128x16xf32, #tpu.memory_space<vmem>>)
    %mul3A_747 = arith.constant 128 : i32
    %mul3A_748 = arith.muli %add3A, %mul3A_747 : i32
    "tpu.region"() ({
      %run_scoped3A = tpu.sem_alloc : memref<!tpu.dma_semaphore, #tpu.memory_space<semaphore_mem>>
      %dma_start3A_749 = arith.constant 0 : i32
      %dma_start3A_750 = tpu.memref_slice %arg5[%mul3A_748, %dma_start3A_749] : memref<4096x16xf32, #tpu.memory_space<hbm>> -> memref<128x16xf32, #tpu.memory_space<hbm>>
      %dma_start3A_751 = arith.constant 0 : i32
      %dma_start3A_752 = tpu.memref_slice %arg5[%mul3A_748, %dma_start3A_751] : memref<4096x16xf32, #tpu.memory_space<hbm>> -> memref<128x16xf32, #tpu.memory_space<hbm>>
      tpu.enqueue_dma source(%arg7 : memref<128x16xf32, #tpu.memory_space<vmem>>) target(%dma_start3A_752 : memref<128x16xf32, #tpu.memory_space<hbm>>) target_semaphore(%run_scoped3A : memref<!tpu.dma_semaphore, #tpu.memory_space<semaphore_mem>>)
      %dma_wait3A_753 = arith.constant 0 : i32
      %dma_wait3A_754 = tpu.memref_slice %arg5[%mul3A_748, %dma_wait3A_753] : memref<4096x16xf32, #tpu.memory_space<hbm>> -> memref<128x16xf32, #tpu.memory_space<hbm>>
      %dma_wait3A_755 = arith.constant 0 : i32
      %dma_wait3A_756 = tpu.memref_slice %arg5[%mul3A_748, %dma_wait3A_755] : memref<4096x16xf32, #tpu.memory_space<hbm>> -> memref<128x16xf32, #tpu.memory_space<hbm>>
      tpu.wait_dma2 semaphore(%run_scoped3A : memref<!tpu.dma_semaphore, #tpu.memory_space<semaphore_mem>>) src(%arg7 : memref<128x16xf32, #tpu.memory_space<vmem>>) dst(%dma_wait3A_756 : memref<128x16xf32, #tpu.memory_space<hbm>>)
      tpu.yield
    }) : () -> ()
    return
  }
}

module attributes {stable_mosaic.version = 14 : i64} {
  func.func @_proj_body(%arg0: i32, %arg1: memref<8192x128xf32, #tpu.memory_space<vmem>>, %arg2: memref<128x16xf32, #tpu.memory_space<vmem>>, %arg3: memref<8192x128xf32, #tpu.memory_space<vmem>>) attributes {dimension_semantics = [#tpu.dimension_semantics<arbitrary>], iteration_bounds = array<i64: 13>, scalar_prefetch = 0 : i64, scratch_operands = 0 : i64, tpu.core_type = #tpu.core_type<tc>, window_params = [{transform_indices = @transform_0, window_bounds = array<i64: 8192, 128>}, {pipeline_mode = #tpu.pipeline_mode<synchronous>, transform_indices = @transform_1, window_bounds = array<i64: 128, 16>}, {transform_indices = @transform_2, window_bounds = array<i64: 8192, 128>}]} {
    %get3A = arith.constant 0 : index
    %get3A_0 = arith.constant 0 : index
    %get3A_1 = vector.load %arg1[%get3A, %get3A_0] : memref<8192x128xf32, #tpu.memory_space<vmem>>, vector<8192x128xf32>
    %get3A_2 = arith.constant 0 : index
    %get3A_3 = arith.constant 0 : index
    %get3A_4 = vector.load %arg2[%get3A_2, %get3A_3] : memref<128x16xf32, #tpu.memory_space<vmem>>, vector<128x16xf32>
    %dot_general3A = arith.constant dense<0.000000e+00> : vector<8192x16xf32>
    %dot_general3A_5 = tpu.matmul %get3A_1, %get3A_4, %dot_general3A {dimension_numbers = #tpu.dot_dimension_numbers<[1], [0], [0], [1], [0, 0, 1, 1], [], []>, transpose_lhs_hint = false} : vector<8192x128xf32>, vector<128x16xf32>, vector<8192x16xf32> -> vector<8192x16xf32>
    %swap3A = arith.constant 0 : index
    %swap3A_6 = arith.constant 0 : index
    %swap3A_7 = vector.load %arg3[%swap3A, %swap3A_6] : memref<8192x128xf32, #tpu.memory_space<vmem>>, vector<8192x16xf32>
    tpu.vector_store %arg3[%swap3A, %swap3A_6], %dot_general3A_5 {strides = array<i32>} : memref<8192x128xf32, #tpu.memory_space<vmem>>, vector<8192x16xf32>,
    return
  }
  func.func @transform_0(%arg0: i32) -> (i32, i32) {
    %c0_i32 = arith.constant 0 : i32
    %c0_i32_0 = arith.constant 0 : i32
    return %arg0, %c0_i32 : i32, i32
  }
  func.func @transform_1(%arg0: i32) -> (i32, i32) {
    %c0_i32 = arith.constant 0 : i32
    %c0_i32_0 = arith.constant 0 : i32
    %c0_i32_1 = arith.constant 0 : i32
    return %c0_i32, %c0_i32_0 : i32, i32
  }
  func.func @transform_2(%arg0: i32) -> (i32, i32) {
    %c0_i32 = arith.constant 0 : i32
    %c0_i32_0 = arith.constant 0 : i32
    return %arg0, %c0_i32 : i32, i32
  }
}

</mosaic_0001>

<sc_bundles>
// kernel: kernel.4.cloned.1.call-start
scs
__scs_entry_jumppad:
0x0: {  	(pc) =	sbr.rel $0x88, $3  }
0x1: {  	(tag) =	ssettag $0x0;
	lr =	simm.s32 $0x1  }
0x2: {  	[smem:$0x3F9D] =	sst lr;
	_ =	strace $0xD0000000  }
0x3: {  	_ = 	snop  }
0x4: {  	_ = 	snop  }
0x5: {  	_ = 	snop  }
0x6: {  	_ = 	snop  }
0x7: {  	_ = 	snop  }
__scs_overlays_trampoline_lowered:
0x8: {  	[smem:$0x3FAC] =	sst s0  }
0x9: {  	[smem:$0x3FAD] =	sst s1  }
0xa: {  	[smem:$0x3FAE] =	sst s2  }
0xb: {  	[smem:$0x3FAF] =	sst s3  }
0xc: {  	[smem:$0x3FB0] =	sst s4  }
0xd: {  	[smem:$0x3FB1] =	sst s5  }
0xe: {  	[smem:$0x3FB2] =	sst s6  }
0xf: {  	[smem:$0x3FB3] =	sst s7  }
0x10: {  	[smem:$0x3FB4] =	sst s8  }
0x11: {  	[smem:$0x3FB5] =	sst s9;
	s0 =	simm.s32 @!p0 $0x0  }
0x12: {  	s1 =	sld [smem:$0x3F9B];
	s0 =	simm.s32 @p0 $0x1  }
0x13: {  	[smem:$0x3FB6] =	sst s0;
	s0 =	simm.s32 @!p1 $0x0  }
0x14: {  	s2 =	sld [smem:$0x3F9A];
	s0 =	simm.s32 @p1 $0x1  }
0x15: {  	[smem:$0x3FB7] =	sst s0;
	s0 =	simm.s32 @!p2 $0x0  }
0x16: {  	s3 =	sld [smem:$0x3FDB];
	s0 =	simm.s32 @p2 $0x1  }
0x17: {  	s4 =	simm.s32 $0x1BF5;
	[smem:$0x3FB9] =	sst s0  }
0x18: {  	s0 =	sld [smem:$0x3F9C];
	_ =	swait.ge [sflag:s4], $0x0  }
0x19: {  	s7 =	sld [smem:$0x3F9D]  }
0x1a: {  	s8 =	sadd.s32 $0xFFFFE003, lr  }
0x1b: {  	s9 =	sadd.s32 $0xFFFFFEF7, lr;
	s5 =	simm.s32 $0xFFFFFFFF;
	p2 =	slt.u32 s8, $0xFFFFF086  }
0x1c: {  	p1 =	slt.u32 s9, $0xF7A;
	s5 =	simm.s32 @!p2 $0x0  }
0x1d: {  	s5 =	simm.s32 @p1 $0x1;
	p0 =	seq.s32 s7, s2  }
0x1e: {  	s7 =	smul.u32 @!p0 $0xF7A, s2;
	p2 =	seq.s32 @!p0 s5, $0x0  }
0x1f: {  	s9 =	smul.u32 $0xF7A, s1;
	s8 =	simm.s32 @!p0 $0x1BF5;
	p2 =	por !p2, p0  }
0x20: {  	[sflag:s8] =	ssyncset.s32 @!p0 $0xFFFFF086;
	s6 =	sadd.s32 @!p0 s3, s7;
	s7 =	simm.s32 @!p0 $0x108  }
0x21: {  	s3 =	sadd.s32 s3, s9;
	s6 =	sadd.s32 @!p0 $0x88, s6;
	s7 =	simm.s32 @p2 $0x1082  }
0x22: {  	[simem:s7], [sflag:s8] =	dma.local @!p0 [hbm:s6], $0xF7A  }
0x23: {  	s9 =	sor.u32 $0xD0000000, s2;
	s6 =	simm.s32 $0x108;
	_ =	swait.ge @!p0 [sflag:s8], $0x0  }
0x24: {  	s3 =	sadd.s32 $0x88, s3;
	s6 =	simm.s32 @!p1 $0x1082;
	[sflag:s4] =	ssyncset.s32 $0xFFFFF086  }
0x25: {  	[simem:s6], [sflag:s4] =	dma.local [hbm:s3], $0xF7A  }
0x26: {  	[smem:$0x3F9D] =	sst s1;
	(tag) =	ssettag s2;
	_ =	strace s9  }
0x27: {  	s1 =	sld [smem:$0x3FAD]  }
0x28: {  	s2 =	sld [smem:$0x3FAE]  }
0x29: {  	s4 =	sld [smem:$0x3FB0]  }
0x2a: {  	p0 =	seq.s32 s5, $0x0;
	s5 =	sld [smem:$0x3FB1]  }
0x2b: {  	s6 =	sld [smem:$0x3FB2]  }
0x2c: {  	s7 =	sld [smem:$0x3FB3]  }
0x2d: {  	s3 =	simm.s32 $0x108;
	s8 =	sld [smem:$0x3FB4]  }
0x2e: {  	s3 =	simm.s32 @!p0 $0x1082;
	s9 =	sld [smem:$0x3FB5]  }
0x2f: {  	lr =	sadd.s32 s0, s3;
	s0 =	sld [smem:$0x3FAC]  }
0x30: {  	s3 =	sld [smem:$0x3FAF]  }
0x31: {  	[smem:$0x3FB8] =	sst s10  }
0x32: {  	s10 =	sld [smem:$0x3FB6];
	_ =	sdelay $0x3  }
0x33: {  	p0 =	seq.s32 s10, $0x1;
	s10 =	sld [smem:$0x3FB8];
	_ =	sdelay $0x3  }
0x34: {  	[smem:$0x3FB8] =	sst s10  }
0x35: {  	s10 =	sld [smem:$0x3FB7];
	_ =	sdelay $0x3  }
0x36: {  	p1 =	seq.s32 s10, $0x1;
	s10 =	sld [smem:$0x3FB8];
	_ =	sdelay $0x3  }
0x37: {  	[smem:$0x3FB8] =	sst s10  }
0x38: {  	s10 =	sld [smem:$0x3FB9]  }
0x39: {  	_ = 	snop;
	(pc) =	sbr.ind lr, $3  }
0x3a: {  	_ = 	snop  }
0x3b: {  	_ = 	snop  }
0x3c: {  	p2 =	seq.s32 s10, $0x1;
	s10 =	sld [smem:$0x3FB8]  }
0x3d: {  	_ =	shalt  }
0x3e: {  	_ =	shalt  }
0x3f: {  	_ =	shalt  }
0x40: {  	_ =	shalt  }
0x41: {  	_ =	shalt  }
0x42: {  	_ =	shalt  }
0x43: {  	_ =	shalt  }
0x44: {  	_ =	shalt  }
0x45: {  	_ =	shalt  }
0x46: {  	_ =	shalt  }
0x47: {  	_ =	shalt  }
0x48: {  	_ =	shalt  }
0x49: {  	_ =	shalt  }
0x4a: {  	_ =	shalt  }
0x4b: {  	_ =	shalt  }
0x4c: {  	_ =	shalt  }
0x4d: {  	_ =	shalt  }
0x4e: {  	_ =	shalt  }
0x4f: {  	_ =	shalt  }
0x50: {  	_ =	shalt  }
0x51: {  	_ =	shalt  }
0x52: {  	_ =	shalt  }
0x53: {  	_ =	shalt  }
0x54: {  	_ =	shalt  }
0x55: {  	_ =	shalt  }
0x56: {  	_ =	shalt  }
0x57: {  	_ =	shalt  }
0x58: {  	_ =	shalt  }
0x59: {  	_ =	shalt  }
0x5a: {  	_ =	shalt  }
0x5b: {  	_ =	shalt  }
0x5c: {  	_ =	shalt  }
0x5d: {  	_ =	shalt  }
0x5e: {  	_ =	shalt  }
0x5f: {  	_ =	shalt  }
0x60: {  	_ =	shalt  }
0x61: {  	_ =	shalt  }
0x62: {  	_ =	shalt  }
0x63: {  	_ =	shalt  }
0x64: {  	_ =	shalt  }
0x65: {  	_ =	shalt  }
0x66: {  	_ =	shalt  }
0x67: {  	_ =	shalt  }
0x68: {  	_ =	shalt  }
0x69: {  	_ =	shalt  }
0x6a: {  	_ =	shalt  }
0x6b: {  	_ =	shalt  }
0x6c: {  	_ =	shalt  }
0x6d: {  	_ =	shalt  }
0x6e: {  	_ =	shalt  }
0x6f: {  	_ =	shalt  }
0x70: {  	_ =	shalt  }
0x71: {  	_ =	shalt  }
0x72: {  	_ =	shalt  }
0x73: {  	_ =	shalt  }
0x74: {  	_ =	shalt  }
0x75: {  	_ =	shalt  }
0x76: {  	_ =	shalt  }
0x77: {  	_ =	shalt  }
0x78: {  	_ =	shalt  }
0x79: {  	_ =	shalt  }
0x7a: {  	_ =	shalt  }
0x7b: {  	_ =	shalt  }
0x7c: {  	_ =	shalt  }
0x7d: {  	_ =	shalt  }
0x7e: {  	_ =	shalt  }
0x7f: {  	_ =	shalt  }
0x80: {  	_ =	shalt  }
0x81: {  	_ =	shalt  }
0x82: {  	_ =	shalt  }
0x83: {  	_ =	shalt  }
0x84: {  	_ =	shalt  }
0x85: {  	_ =	shalt  }
0x86: {  	_ =	shalt  }
0x87: {  	_ =	shalt  }
.Lfunc_end0:
.L_simem_size_0:
called_computation_lowered:
.L_overlay_start_0:
0x88: {  	s2 =	sld [smem:$0x3FD9]  }
0x89: {  	s3 =	sld [smem:$0x3FFE];
	_ =	sdelay $0x1  }
0x8a: {  	s1 =	srdreg.scid  }
0x8b: {  	s0 =	sand.u32 $0x1, s1  }
0x8c: {  	s17 =	sshll.u32 s0, $0xA;
	s2 =	sadd.s32 s3, s2  }
0x8d: {  	s2 =	sadd.s32 s2, s17  }
0x8e: {  	[smem:$0x3FC4] =	sst s2  }
0x8f: {  	_ = 	snop  }
0x90: {  	s2 =	sld [smem:$0x3FD0];
	(tm) =	ssettm $0x1  }
0x91: {  	s18 =	sld [smem:$0x3FFB];
	_ =	sdelay $0x3  }
0x92: {  	_ =	strace s18  }
0x93: {  	s3 =	sld [smem:$0x3FFC];
	_ =	sdelay $0x3  }
0x94: {  	_ =	strace s3  }
0x95: {  	s3 =	sld [smem:$0x3FFD];
	_ =	sdelay $0x3  }
0x96: {  	_ =	strace s3  }
0x97: {  	_ =	strace $0x8FFFFFFF  }
0x98: {  	s19 =	sld [smem:$0x3FDB];
	_ =	sdelay $0x1  }
0x99: {  	s4 =	simm.s32 $_scs_section_size  }
0x9a: {  	s5 =	simm.s32 $_size__tile_overlayer_lowered;
	s6 =	simm.s32 $_tile_overlayer_lowered  }
0x9b: {  	s22 =	simm.s32 $0x1BFF;
	s21 =	sshll.u32 s6, $0x1;
	s3 =	sadd.s32 s4, s19  }
0x9c: {  	s7 =	simm.s32 $0x0;
	s20 =	sshll.u32 s5, $0x1;
	s5 =	sadd.s32 s21, s3  }
0x9d: {  	[timem:s7], [sflag:s22] =	dma.local [hbm:s5], s20  }
0x9e: {  	_ =	swait.ge [sflag:s22], s20  }
0x9f: {  	s4 =	ssub.s32 $0x0, s20;
	[sflag:s22] =	ssyncset.done $0x0  }
0xa0: {  	[sflag:s22] =	ssyncadd.s32 s4;
	_ =	sdelay $0x1  }
0xa1: {  	s23 =	simm.s32 $0x1B8B  }
0xa2: {  	_ =	swait.ge [sflag:s23], $0x1  }
0xa3: {  	[sflag:s23] =	ssyncset.done $0x0  }
0xa4: {  	s25 =	simm.s32 $0x1B8E;
	s24 =	sld [smem:$0x3FFE];
	[sflag:s23] =	ssyncadd.s32 $0xFFFFFFFF  }
0xa5: {  	s26 =	simm.s32 $execute0_lowered;
	[smem:$0x3FD2] =	sst s25  }
0xa6: {  	s5 =	sshll.u32 s26, $0x1;
	_ =	strace $0x80000046;
	[dreg:$0x1] =	wrdreg $0xFFFFFFFF  }
0xa7: {  	s28 =	simm.s32 $_size_execute0_lowered;
	s3 =	sadd.s32 s3, s5;
	[dreg:$0x0] =	wrdreg $0x0  }
0xa8: {  	s5 =	sshll.u32 s28, $0x1;
	[dreg:$0x2] =	wrdreg s3  }
0xa9: {  	[dreg:$0x3] =	wrdreg s5  }
0xaa: {  	[dreg:$0x4] =	wrdreg $0xC0  }
0xab: {  	_ =	task [dreg:s7], $0x5FFFF  }
0xac: {  	[dreg:$0x1] =	wrdreg $0xFFFFFFFF  }
0xad: {  	[dreg:$0x0] =	wrdreg $0x60  }
0xae: {  	[dreg:$0x2] =	wrdreg s24  }
0xaf: {  	[dreg:$0x3] =	wrdreg s2  }
0xb0: {  	[dreg:$0x4] =	wrdreg $0x9  }
0xb1: {  	_ =	task.clear_ibuf [dreg:s7], $0x5FFFF;
	_ =	strace $0x90000046  }
0xb2: {  	s29 =	simm.s32 $0x9;
	_ =	strace $0x80000048  }
0xb3: {  	_ =	swait.ge [sflag:s29], $0x1  }
0xb4: {  	[sflag:s29] =	ssyncadd.s32 $0xFFFFFFFF  }
0xb5: {  	_ =	strace $0x90000048  }
0xb6: {  	_ =	sfence  }
0xb7: {  	s30 =	sld [smem:$0x0];
	_ =	sdelay $0x2  }
0xb8: {  	s31 =	sshll.u32 s1, $0xD;
	s1 =	sshrl.u32 s1, $0x2  }
0xb9: {  	s3 =	sand.u32 $0x4000, s31;
	s1 =	sadd.s32 s1, s30  }
0xba: {  	s0 =	sor.u32 s3, s0;
	s1 =	sshll.u32 s1, $0x11  }
0xbb: {  	s0 =	sor.u32 s1, s0  }
0xbc: {  	s0 =	sadd.s32 $0x8F2B, s0  }
0xbd: {  	[sflag:s0] =	ssyncadd.remote.s32 $0x1  }
0xbe: {  	_ =	sfence.sel $0xFFFF  }
0xbf: {  	[dreg:$0x0] =	wrdreg $0xFFFFFFFF;
	(pc) =	sbr.abs _section_cstart, $3  }
0xc0: {  	[dreg:$0x1] =	wrdreg $0xFFFFFFFF  }
0xc1: {  	_ =	task.clear_ibuf [dreg:s7], $0x2FFFF;
	_ =	strace $0x9FFFFFFF  }
0xc2: {  	(tm) =	ssettm $0x7FFFFFFF  }
0xc3: {  	_ =	shalt  }
tec
execute0_lowered:
.L_overlay_start_1:
0x0: {  	(tag) =	ssettag $0x1  }
0x1: {  	s0 =	rddreg [dreg:$0x0]  }
0x2: {  	s2 =	rddreg [dreg:$0x1]  }
0x3: {  	[dreg:$0x3] =	wrdreg s2;
	s2 =	simm.s32 $0x0  }
0x4: {  	s23 =	simm.s32 $0x100;
	[smem:$0x7FF] =	sst s2  }
0x5: {  	s24 =	simm.s32 $0x180;
	_ =	strace $0x80000047;
	[dreg:$0x6] =	wrdreg s23  }
0x6: {  	s25 =	simm.s32 $0x200;
	[dreg:$0x7] =	wrdreg s24  }
0x7: {  	s26 =	simm.s32 $0x280;
	[dreg:$0x8] =	wrdreg s25  }
0x8: {  	s5 =	simm.s32 $0x380;
	[dreg:$0x9] =	wrdreg s26  }
0x9: {  	s6 =	simm.s32 $0x400;
	[dreg:$0xb] =	wrdreg s5  }
0xa: {  	s7 =	simm.s32 $0x480;
	[dreg:$0xc] =	wrdreg s6  }
0xb: {  	s1 =	srdreg.scid;
	s8 =	simm.s32 $0x500;
	[dreg:$0xd] =	wrdreg s7  }
0xc: {  	s3 =	stileid.u32;
	s9 =	simm.s32 $0x580;
	[dreg:$0xe] =	wrdreg s8  }
0xd: {  	s10 =	simm.s32 $0x600;
	s11 =	simm.s32 $0x680;
	[dreg:$0xf] =	wrdreg s9  }
0xe: {  	s12 =	simm.s32 $0x700;
	s13 =	simm.s32 $0x780;
	[dreg:$0x10] =	wrdreg s10  }
0xf: {  	s14 =	simm.s32 $0x800;
	s15 =	simm.s32 $0x880;
	[dreg:$0x11] =	wrdreg s11  }
0x10: {  	s16 =	simm.s32 $0x900;
	s17 =	simm.s32 $0x980;
	[dreg:$0x12] =	wrdreg s12  }
0x11: {  	s18 =	simm.s32 $0xA00;
	s19 =	simm.s32 $0xA80;
	[dreg:$0x13] =	wrdreg s13  }
0x12: {  	s20 =	simm.s32 $0xB00;
	s22 =	simm.s32 $0xB80;
	[dreg:$0x14] =	wrdreg s14  }
0x13: {  	s31 =	simm.s32 $0x1;
	p0 =	por $0x0, $0x0;
	[dreg:$0x15] =	wrdreg s15  }
0x14: {  	s28 =	simm.s32 $0x1700;
	s29 =	simm.s32 $0x1780;
	[dreg:$0x16] =	wrdreg s16  }
0x15: {  	s1 =	sand.u32 $0x1, s1;
	s3 =	sshll.u32 s3, $0x1;
	[dreg:$0x17] =	wrdreg s17  }
0x16: {  	s30 =	simm.s32 $0x1800;
	s3 =	sor.u32 s1, s3;
	[dreg:$0x18] =	wrdreg s18  }
0x17: {  	s1 =	ssub.s32 $0x2, s1;
	s4 =	smul.u32 $0x320, s3;
	[dreg:$0x19] =	wrdreg s19  }
0x18: {  	s3 =	sshll.u32 s3, $0x8;
	s6 =	sadd.s32 $0x6400, s0;
	[dreg:$0x1a] =	wrdreg s20  }
0x19: {  	s21 =	sshrl.u32 s1, $0x1;
	[dreg:$0x1b] =	wrdreg s22;
	s23 =	simm.s32 $0xC00  }
0x1a: {  	s24 =	simm.s32 $0xC80;
	s25 =	simm.s32 $0xD00;
	s26 =	simm.s32 $0xD80  }
0x1b: {  	s7 =	simm.s32 $0x80;
	s10 =	simm.s32 $0xE80;
	s11 =	simm.s32 $0xF00  }
0x1c: {  	s12 =	simm.s32 $0xF80;
	s13 =	simm.s32 $0x1000;
	s14 =	simm.s32 $0x1080  }
0x1d: {  	s15 =	simm.s32 $0x1100;
	s16 =	simm.s32 $0x1180;
	s17 =	simm.s32 $0x1200  }
0x1e: {  	s18 =	simm.s32 $0x1280;
	s19 =	simm.s32 $0x1300;
	s20 =	simm.s32 $0x1380  }
0x1f: {  	s22 =	simm.s32 $0x1480;
	s9 =	simm.s32 $0x1880;
	[dreg:$0x1c] =	wrdreg s23  }
0x20: {  	s5 =	simm.s32 $0x3;
	s1 =	ssub.s32 s1, s21;
	[dreg:$0x1d] =	wrdreg s24  }
0x21: {  	s3 =	sadd.s32 s3, s0;
	[dreg:$0x1e] =	wrdreg s25;
	s1 =	smax.u32 s1, $0x1  }
0x22: {  	[dreg:$0x1f] =	wrdreg s26;
	s21 =	simm.s32 $0x1400;
	p1 =	sne.s32 s1, $0x1  }
.Ltmp0:
0x23: {  	s23 =	simm.s32 $0x1500;
	s4 =	sadd.s32 s0, s4;
	(pc) =	sbr.rel @!p1 .LBB2_1-.Ltmp0, $4  }
0x24: {  	s24 =	simm.s32 $0x1580;
	s3 =	sadd.s32 $0x18CE00, s3;
	[dreg:$0x4] =	wrdreg s4  }
0x25: {  	s25 =	simm.s32 $0x1600;
	[dreg:$0x5] =	wrdreg s3;
	s4 =	simm.s32 $0x300  }
0x26: {  	s26 =	simm.s32 $0x1680;
	s3 =	simm.s32 $0x1900;
	[dreg:$0xa] =	wrdreg s4  }
0x27: {  	s8 =	sadd.s32 $0xFFFFFFFF, s1;
	s4 =	simm.s32 $0x2;
	s0 =	rddreg [dreg:$0x4]  }
0x28: {  	[tilespmem:s2], [sflag:$0x1] =	stream.linear.gather [hbm4b:s0+s2], $0x1900, $0x38;
	[tilespmem:$0x2100] =	vst v63  }
0x29: {  	s1 =	rddreg [dreg:$0x3]  }
0x2a: {  	[tilespmem:s3], [sflag:$0x2] =	stream.linear.gather [hbm4b:s1+s2], $0x800, $0x38;
	[tilespmem:$0x2100] =	vst v63  }
0x2b: {  	_ =	swait.ge [sflag:s31], $0x1900  }
0x2c: {  	[sflag:s31] =	ssyncset.done $0x0  }
0x2d: {  	[sflag:s31] =	ssyncadd.s32 $0xFFFFE700  }
0x2e: {  	_ =	swait.ge [sflag:s4], $0x800  }
0x2f: {  	[sflag:s4] =	ssyncset.done $0x0  }
0x30: {  	[sflag:s4] =	ssyncadd.s32 $0xFFFFF800  }
0x31: {  	[tilespmem:s3], [sflag:$0x2] =	stream.indirect.gather.add.f32 [hbm:s6], $0x10, s2, s7, $0xb8;
	[tilespmem:$0x2100] =	vst v63  }
0x32: {  	_ = 	snop  }
0x33: {  	[tilespmem:s3], [sflag:$0x2] =	stream.indirect.gather.add.f32 [hbm:s6], $0x10, s7, s7, $0xb8;
	[tilespmem:$0x2100] =	vst v63  }
0x34: {  	s0 =	rddreg [dreg:$0x6]  }
0x35: {  	[tilespmem:s3], [sflag:$0x2] =	stream.indirect.gather.add.f32 [hbm:s6], $0x10, s0, s7, $0xb8;
	[tilespmem:$0x2100] =	vst v63  }
0x36: {  	s1 =	rddreg [dreg:$0x7]  }
0x37: {  	[tilespmem:s3], [sflag:$0x2] =	stream.indirect.gather.add.f32 [hbm:s6], $0x10, s1, s7, $0xb8;
	[tilespmem:$0x2100] =	vst v63  }
0x38: {  	s0 =	rddreg [dreg:$0x8]  }
0x39: {  	[tilespmem:s3], [sflag:$0x2] =	stream.indirect.gather.add.f32 [hbm:s6], $0x10, s0, s7, $0xb8;
	[tilespmem:$0x2100] =	vst v63  }
0x3a: {  	s1 =	rddreg [dreg:$0x9]  }
0x3b: {  	[tilespmem:s3], [sflag:$0x2] =	stream.indirect.gather.add.f32 [hbm:s6], $0x10, s1, s7, $0xb8;
	[tilespmem:$0x2100] =	vst v63  }
0x3c: {  	s0 =	rddreg [dreg:$0xa]  }
0x3d: {  	[tilespmem:s3], [sflag:$0x2] =	stream.indirect.gather.add.f32 [hbm:s6], $0x10, s0, s7, $0xb8;
	[tilespmem:$0x2100] =	vst v63  }
0x3e: {  	s1 =	rddreg [dreg:$0xb]  }
0x3f: {  	[tilespmem:s3], [sflag:$0x2] =	stream.indirect.gather.add.f32 [hbm:s6], $0x10, s1, s7, $0xb8;
	[tilespmem:$0x2100] =	vst v63  }
0x40: {  	s0 =	rddreg [dreg:$0xc]  }
0x41: {  	[tilespmem:s3], [sflag:$0x2] =	stream.indirect.gather.add.f32 [hbm:s6], $0x10, s0, s7, $0xb8;
	[tilespmem:$0x2100] =	vst v63  }
0x42: {  	s1 =	rddreg [dreg:$0xd]  }
0x43: {  	[tilespmem:s3], [sflag:$0x2] =	stream.indirect.gather.add.f32 [hbm:s6], $0x10, s1, s7, $0xb8;
	[tilespmem:$0x2100] =	vst v63  }
0x44: {  	s0 =	rddreg [dreg:$0xe]  }
0x45: {  	[tilespmem:s3], [sflag:$0x2] =	stream.indirect.gather.add.f32 [hbm:s6], $0x10, s0, s7, $0xb8;
	[tilespmem:$0x2100] =	vst v63  }
0x46: {  	s1 =	rddreg [dreg:$0xf]  }
0x47: {  	[tilespmem:s3], [sflag:$0x2] =	stream.indirect.gather.add.f32 [hbm:s6], $0x10, s1, s7, $0xb8;
	[tilespmem:$0x2100] =	vst v63  }
0x48: {  	s0 =	rddreg [dreg:$0x10]  }
0x49: {  	[tilespmem:s3], [sflag:$0x2] =	stream.indirect.gather.add.f32 [hbm:s6], $0x10, s0, s7, $0xb8;
	[tilespmem:$0x2100] =	vst v63  }
0x4a: {  	s1 =	rddreg [dreg:$0x11]  }
0x4b: {  	[tilespmem:s3], [sflag:$0x2] =	stream.indirect.gather.add.f32 [hbm:s6], $0x10, s1, s7, $0xb8;
	[tilespmem:$0x2100] =	vst v63  }
0x4c: {  	s0 =	rddreg [dreg:$0x12]  }
0x4d: {  	[tilespmem:s3], [sflag:$0x2] =	stream.indirect.gather.add.f32 [hbm:s6], $0x10, s0, s7, $0xb8;
	[tilespmem:$0x2100] =	vst v63  }
0x4e: {  	s1 =	rddreg [dreg:$0x13]  }
0x4f: {  	[tilespmem:s3], [sflag:$0x2] =	stream.indirect.gather.add.f32 [hbm:s6], $0x10, s1, s7, $0xb8;
	[tilespmem:$0x2100] =	vst v63  }
0x50: {  	s0 =	rddreg [dreg:$0x14]  }
0x51: {  	[tilespmem:s3], [sflag:$0x2] =	stream.indirect.gather.add.f32 [hbm:s6], $0x10, s0, s7, $0xb8;
	[tilespmem:$0x2100] =	vst v63  }
0x52: {  	s1 =	rddreg [dreg:$0x15]  }
0x53: {  	[tilespmem:s3], [sflag:$0x2] =	stream.indirect.gather.add.f32 [hbm:s6], $0x10, s1, s7, $0xb8;
	[tilespmem:$0x2100] =	vst v63  }
0x54: {  	s0 =	rddreg [dreg:$0x16]  }
0x55: {  	[tilespmem:s3], [sflag:$0x2] =	stream.indirect.gather.add.f32 [hbm:s6], $0x10, s0, s7, $0xb8;
	[tilespmem:$0x2100] =	vst v63  }
0x56: {  	s1 =	rddreg [dreg:$0x17]  }
0x57: {  	[tilespmem:s3], [sflag:$0x2] =	stream.indirect.gather.add.f32 [hbm:s6], $0x10, s1, s7, $0xb8;
	[tilespmem:$0x2100] =	vst v63  }
0x58: {  	s0 =	rddreg [dreg:$0x18]  }
0x59: {  	[tilespmem:s3], [sflag:$0x2] =	stream.indirect.gather.add.f32 [hbm:s6], $0x10, s0, s7, $0xb8;
	[tilespmem:$0x2100] =	vst v63  }
0x5a: {  	s1 =	rddreg [dreg:$0x19]  }
0x5b: {  	[tilespmem:s3], [sflag:$0x2] =	stream.indirect.gather.add.f32 [hbm:s6], $0x10, s1, s7, $0xb8;
	[tilespmem:$0x2100] =	vst v63  }
0x5c: {  	s0 =	rddreg [dreg:$0x1a]  }
0x5d: {  	[tilespmem:s3], [sflag:$0x2] =	stream.indirect.gather.add.f32 [hbm:s6], $0x10, s0, s7, $0xb8;
	[tilespmem:$0x2100] =	vst v63  }
0x5e: {  	s1 =	rddreg [dreg:$0x1b]  }
0x5f: {  	[tilespmem:s3], [sflag:$0x2] =	stream.indirect.gather.add.f32 [hbm:s6], $0x10, s1, s7, $0xb8;
	[tilespmem:$0x2100] =	vst v63  }
0x60: {  	s0 =	rddreg [dreg:$0x1c]  }
0x61: {  	[tilespmem:s3], [sflag:$0x2] =	stream.indirect.gather.add.f32 [hbm:s6], $0x10, s0, s7, $0xb8;
	[tilespmem:$0x2100] =	vst v63  }
0x62: {  	s1 =	rddreg [dreg:$0x1d]  }
0x63: {  	[tilespmem:s3], [sflag:$0x2] =	stream.indirect.gather.add.f32 [hbm:s6], $0x10, s1, s7, $0xb8;
	[tilespmem:$0x2100] =	vst v63  }
0x64: {  	s0 =	rddreg [dreg:$0x1e]  }
0x65: {  	[tilespmem:s3], [sflag:$0x2] =	stream.indirect.gather.add.f32 [hbm:s6], $0x10, s0, s7, $0xb8;
	[tilespmem:$0x2100] =	vst v63  }
0x66: {  	s1 =	rddreg [dreg:$0x1f]  }
0x67: {  	[tilespmem:s3], [sflag:$0x2] =	stream.indirect.gather.add.f32 [hbm:s6], $0x10, s1, s7, $0xb8;
	[tilespmem:$0x2100] =	vst v63  }
0x68: {  	s1 =	simm.s32 $0xE00  }
0x69: {  	[tilespmem:s3], [sflag:$0x2] =	stream.indirect.gather.add.f32 [hbm:s6], $0x10, s1, s7, $0xb8;
	[tilespmem:$0x2100] =	vst v63  }
0x6a: {  	_ = 	snop  }
0x6b: {  	[tilespmem:s3], [sflag:$0x2] =	stream.indirect.gather.add.f32 [hbm:s6], $0x10, s10, s7, $0xb8;
	[tilespmem:$0x2100] =	vst v63  }
0x6c: {  	_ = 	snop  }
0x6d: {  	[tilespmem:s3], [sflag:$0x2] =	stream.indirect.gather.add.f32 [hbm:s6], $0x10, s11, s7, $0xb8;
	[tilespmem:$0x2100] =	vst v63  }
0x6e: {  	_ = 	snop  }
0x6f: {  	[tilespmem:s3], [sflag:$0x2] =	stream.indirect.gather.add.f32 [hbm:s6], $0x10, s12, s7, $0xb8;
	[tilespmem:$0x2100] =	vst v63  }
0x70: {  	_ = 	snop  }
0x71: {  	[tilespmem:s3], [sflag:$0x2] =	stream.indirect.gather.add.f32 [hbm:s6], $0x10, s13, s7, $0xb8;
	[tilespmem:$0x2100] =	vst v63  }
0x72: {  	_ = 	snop  }
0x73: {  	[tilespmem:s3], [sflag:$0x2] =	stream.indirect.gather.add.f32 [hbm:s6], $0x10, s14, s7, $0xb8;
	[tilespmem:$0x2100] =	vst v63  }
0x74: {  	_ = 	snop  }
0x75: {  	[tilespmem:s3], [sflag:$0x2] =	stream.indirect.gather.add.f32 [hbm:s6], $0x10, s15, s7, $0xb8;
	[tilespmem:$0x2100] =	vst v63  }
0x76: {  	_ = 	snop  }
0x77: {  	[tilespmem:s3], [sflag:$0x2] =	stream.indirect.gather.add.f32 [hbm:s6], $0x10, s16, s7, $0xb8;
	[tilespmem:$0x2100] =	vst v63  }
0x78: {  	_ = 	snop  }
0x79: {  	[tilespmem:s3], [sflag:$0x2] =	stream.indirect.gather.add.f32 [hbm:s6], $0x10, s17, s7, $0xb8;
	[tilespmem:$0x2100] =	vst v63  }
0x7a: {  	_ = 	snop  }
0x7b: {  	[tilespmem:s3], [sflag:$0x2] =	stream.indirect.gather.add.f32 [hbm:s6], $0x10, s18, s7, $0xb8;
	[tilespmem:$0x2100] =	vst v63  }
0x7c: {  	_ = 	snop  }
0x7d: {  	[tilespmem:s3], [sflag:$0x2] =	stream.indirect.gather.add.f32 [hbm:s6], $0x10, s19, s7, $0xb8;
	[tilespmem:$0x2100] =	vst v63  }
0x7e: {  	_ = 	snop  }
0x7f: {  	[tilespmem:s3], [sflag:$0x2] =	stream.indirect.gather.add.f32 [hbm:s6], $0x10, s20, s7, $0xb8;
	[tilespmem:$0x2100] =	vst v63  }
0x80: {  	_ = 	snop  }
0x81: {  	[tilespmem:s3], [sflag:$0x2] =	stream.indirect.gather.add.f32 [hbm:s6], $0x10, s21, s7, $0xb8;
	[tilespmem:$0x2100] =	vst v63  }
0x82: {  	_ = 	snop  }
0x83: {  	[tilespmem:s3], [sflag:$0x2] =	stream.indirect.gather.add.f32 [hbm:s6], $0x10, s22, s7, $0xb8;
	[tilespmem:$0x2100] =	vst v63  }
0x84: {  	_ = 	snop  }
0x85: {  	[tilespmem:s3], [sflag:$0x2] =	stream.indirect.gather.add.f32 [hbm:s6], $0x10, s23, s7, $0xb8;
	[tilespmem:$0x2100] =	vst v63  }
0x86: {  	_ = 	snop  }
0x87: {  	[tilespmem:s3], [sflag:$0x2] =	stream.indirect.gather.add.f32 [hbm:s6], $0x10, s24, s7, $0xb8;
	[tilespmem:$0x2100] =	vst v63  }
0x88: {  	_ = 	snop  }
0x89: {  	[tilespmem:s3], [sflag:$0x2] =	stream.indirect.gather.add.f32 [hbm:s6], $0x10, s25, s7, $0xb8;
	[tilespmem:$0x2100] =	vst v63  }
0x8a: {  	_ = 	snop  }
0x8b: {  	[tilespmem:s3], [sflag:$0x2] =	stream.indirect.gather.add.f32 [hbm:s6], $0x10, s26, s7, $0xb8;
	[tilespmem:$0x2100] =	vst v63  }
0x8c: {  	_ = 	snop  }
0x8d: {  	[tilespmem:s3], [sflag:$0x2] =	stream.indirect.gather.add.f32 [hbm:s6], $0x10, s28, s7, $0xb8;
	[tilespmem:$0x2100] =	vst v63  }
0x8e: {  	_ = 	snop  }
0x8f: {  	[tilespmem:s3], [sflag:$0x2] =	stream.indirect.gather.add.f32 [hbm:s6], $0x10, s29, s7, $0xb8;
	[tilespmem:$0x2100] =	vst v63  }
0x90: {  	_ = 	snop  }
0x91: {  	[tilespmem:s3], [sflag:$0x2] =	stream.indirect.gather.add.f32 [hbm:s6], $0x10, s30, s7, $0xb8;
	[tilespmem:$0x2100] =	vst v63  }
0x92: {  	_ = 	snop  }
0x93: {  	[tilespmem:s3], [sflag:$0x2] =	stream.indirect.gather.add.f32 [hbm:s6], $0x10, s9, s7, $0xb8;
	[tilespmem:$0x2100] =	vst v63  }
0x94: {  	_ =	swait.ge [sflag:s4], $0x800  }
0x95: {  	[sflag:s4] =	ssyncset.done $0x0  }
0x96: {  	[sflag:s4] =	ssyncadd.s32 $0xFFFFF800  }
0x97: {  	_ =	swait.ge [sflag:s4], $0x800  }
0x98: {  	[sflag:s4] =	ssyncset.done $0x0  }
0x99: {  	[sflag:s4] =	ssyncadd.s32 $0xFFFFF800  }
0x9a: {  	_ =	swait.ge [sflag:s4], $0x800  }
0x9b: {  	[sflag:s4] =	ssyncset.done $0x0  }
0x9c: {  	[sflag:s4] =	ssyncadd.s32 $0xFFFFF800  }
0x9d: {  	_ =	swait.ge [sflag:s4], $0x800  }
0x9e: {  	[sflag:s4] =	ssyncset.done $0x0  }
0x9f: {  	[sflag:s4] =	ssyncadd.s32 $0xFFFFF800  }
0xa0: {  	_ =	swait.ge [sflag:s4], $0x800  }
0xa1: {  	[sflag:s4] =	ssyncset.done $0x0  }
0xa2: {  	[sflag:s4] =	ssyncadd.s32 $0xFFFFF800  }
0xa3: {  	_ =	swait.ge [sflag:s4], $0x800  }
0xa4: {  	[sflag:s4] =	ssyncset.done $0x0  }
0xa5: {  	[sflag:s4] =	ssyncadd.s32 $0xFFFFF800  }
0xa6: {  	_ =	swait.ge [sflag:s4], $0x800  }
0xa7: {  	[sflag:s4] =	ssyncset.done $0x0  }
0xa8: {  	[sflag:s4] =	ssyncadd.s32 $0xFFFFF800  }
0xa9: {  	_ =	swait.ge [sflag:s4], $0x800  }
0xaa: {  	[sflag:s4] =	ssyncset.done $0x0  }
0xab: {  	[sflag:s4] =	ssyncadd.s32 $0xFFFFF800  }
0xac: {  	_ =	swait.ge [sflag:s4], $0x800  }
0xad: {  	[sflag:s4] =	ssyncset.done $0x0  }
0xae: {  	[sflag:s4] =	ssyncadd.s32 $0xFFFFF800  }
0xaf: {  	_ =	swait.ge [sflag:s4], $0x800  }
0xb0: {  	[sflag:s4] =	ssyncset.done $0x0  }
0xb1: {  	[sflag:s4] =	ssyncadd.s32 $0xFFFFF800  }
0xb2: {  	_ =	swait.ge [sflag:s4], $0x800  }
0xb3: {  	[sflag:s4] =	ssyncset.done $0x0  }
0xb4: {  	[sflag:s4] =	ssyncadd.s32 $0xFFFFF800  }
0xb5: {  	_ =	swait.ge [sflag:s4], $0x800  }
0xb6: {  	[sflag:s4] =	ssyncset.done $0x0  }
0xb7: {  	[sflag:s4] =	ssyncadd.s32 $0xFFFFF800  }
0xb8: {  	_ =	swait.ge [sflag:s4], $0x800  }
0xb9: {  	[sflag:s4] =	ssyncset.done $0x0  }
0xba: {  	[sflag:s4] =	ssyncadd.s32 $0xFFFFF800  }
0xbb: {  	_ =	swait.ge [sflag:s4], $0x800  }
0xbc: {  	[sflag:s4] =	ssyncset.done $0x0  }
0xbd: {  	[sflag:s4] =	ssyncadd.s32 $0xFFFFF800  }
0xbe: {  	_ =	swait.ge [sflag:s4], $0x800  }
0xbf: {  	[sflag:s4] =	ssyncset.done $0x0  }
0xc0: {  	[sflag:s4] =	ssyncadd.s32 $0xFFFFF800  }
0xc1: {  	_ =	swait.ge [sflag:s4], $0x800  }
0xc2: {  	[sflag:s4] =	ssyncset.done $0x0  }
0xc3: {  	[sflag:s4] =	ssyncadd.s32 $0xFFFFF800  }
0xc4: {  	_ =	swait.ge [sflag:s4], $0x800  }
0xc5: {  	[sflag:s4] =	ssyncset.done $0x0  }
0xc6: {  	[sflag:s4] =	ssyncadd.s32 $0xFFFFF800  }
0xc7: {  	_ =	swait.ge [sflag:s4], $0x800  }
0xc8: {  	[sflag:s4] =	ssyncset.done $0x0  }
0xc9: {  	[sflag:s4] =	ssyncadd.s32 $0xFFFFF800  }
0xca: {  	_ =	swait.ge [sflag:s4], $0x800  }
0xcb: {  	[sflag:s4] =	ssyncset.done $0x0  }
0xcc: {  	[sflag:s4] =	ssyncadd.s32 $0xFFFFF800  }
0xcd: {  	_ =	swait.ge [sflag:s4], $0x800  }
0xce: {  	[sflag:s4] =	ssyncset.done $0x0  }
0xcf: {  	[sflag:s4] =	ssyncadd.s32 $0xFFFFF800  }
0xd0: {  	_ =	swait.ge [sflag:s4], $0x800  }
0xd1: {  	[sflag:s4] =	ssyncset.done $0x0  }
0xd2: {  	[sflag:s4] =	ssyncadd.s32 $0xFFFFF800  }
0xd3: {  	_ =	swait.ge [sflag:s4], $0x800  }
0xd4: {  	[sflag:s4] =	ssyncset.done $0x0  }
0xd5: {  	[sflag:s4] =	ssyncadd.s32 $0xFFFFF800  }
0xd6: {  	_ =	swait.ge [sflag:s4], $0x800  }
0xd7: {  	[sflag:s4] =	ssyncset.done $0x0  }
0xd8: {  	[sflag:s4] =	ssyncadd.s32 $0xFFFFF800  }
0xd9: {  	_ =	swait.ge [sflag:s4], $0x800  }
0xda: {  	[sflag:s4] =	ssyncset.done $0x0  }
0xdb: {  	[sflag:s4] =	ssyncadd.s32 $0xFFFFF800  }
0xdc: {  	_ =	swait.ge [sflag:s4], $0x800  }
0xdd: {  	[sflag:s4] =	ssyncset.done $0x0  }
0xde: {  	[sflag:s4] =	ssyncadd.s32 $0xFFFFF800  }
0xdf: {  	_ =	swait.ge [sflag:s4], $0x800  }
0xe0: {  	[sflag:s4] =	ssyncset.done $0x0  }
0xe1: {  	[sflag:s4] =	ssyncadd.s32 $0xFFFFF800  }
0xe2: {  	_ =	swait.ge [sflag:s4], $0x800  }
0xe3: {  	[sflag:s4] =	ssyncset.done $0x0  }
0xe4: {  	[sflag:s4] =	ssyncadd.s32 $0xFFFFF800  }
0xe5: {  	_ =	swait.ge [sflag:s4], $0x800  }
0xe6: {  	[sflag:s4] =	ssyncset.done $0x0  }
0xe7: {  	[sflag:s4] =	ssyncadd.s32 $0xFFFFF800  }
0xe8: {  	_ =	swait.ge [sflag:s4], $0x800  }
0xe9: {  	[sflag:s4] =	ssyncset.done $0x0  }
0xea: {  	[sflag:s4] =	ssyncadd.s32 $0xFFFFF800  }
0xeb: {  	_ =	swait.ge [sflag:s4], $0x800  }
0xec: {  	[sflag:s4] =	ssyncset.done $0x0  }
0xed: {  	[sflag:s4] =	ssyncadd.s32 $0xFFFFF800  }
0xee: {  	_ =	swait.ge [sflag:s4], $0x800  }
0xef: {  	[sflag:s4] =	ssyncset.done $0x0  }
0xf0: {  	[sflag:s4] =	ssyncadd.s32 $0xFFFFF800  }
0xf1: {  	_ =	swait.ge [sflag:s4], $0x800  }
0xf2: {  	[sflag:s4] =	ssyncset.done $0x0  }
0xf3: {  	[sflag:s4] =	ssyncadd.s32 $0xFFFFF800  }
0xf4: {  	_ =	swait.ge [sflag:s4], $0x800  }
0xf5: {  	[sflag:s4] =	ssyncset.done $0x0  }
0xf6: {  	[sflag:s4] =	ssyncadd.s32 $0xFFFFF800  }
0xf7: {  	_ =	swait.ge [sflag:s4], $0x800  }
0xf8: {  	[sflag:s4] =	ssyncset.done $0x0  }
0xf9: {  	[sflag:s4] =	ssyncadd.s32 $0xFFFFF800  }
0xfa: {  	_ =	swait.ge [sflag:s4], $0x800  }
0xfb: {  	[sflag:s4] =	ssyncset.done $0x0  }
0xfc: {  	[sflag:s4] =	ssyncadd.s32 $0xFFFFF800  }
0xfd: {  	_ =	swait.ge [sflag:s4], $0x800  }
0xfe: {  	[sflag:s4] =	ssyncset.done $0x0  }
0xff: {  	[sflag:s4] =	ssyncadd.s32 $0xFFFFF800  }
0x100: {  	_ =	swait.ge [sflag:s4], $0x800  }
0x101: {  	[sflag:s4] =	ssyncset.done $0x0  }
0x102: {  	[sflag:s4] =	ssyncadd.s32 $0xFFFFF800  }
0x103: {  	_ =	swait.ge [sflag:s4], $0x800  }
0x104: {  	[sflag:s4] =	ssyncset.done $0x0  }
0x105: {  	[sflag:s4] =	ssyncadd.s32 $0xFFFFF800  }
0x106: {  	_ =	swait.ge [sflag:s4], $0x800  }
0x107: {  	[sflag:s4] =	ssyncset.done $0x0  }
0x108: {  	[sflag:s4] =	ssyncadd.s32 $0xFFFFF800  }
0x109: {  	_ =	swait.ge [sflag:s4], $0x800  }
0x10a: {  	[sflag:s4] =	ssyncset.done $0x0  }
0x10b: {  	[sflag:s4] =	ssyncadd.s32 $0xFFFFF800  }
0x10c: {  	_ =	swait.ge [sflag:s4], $0x800  }
0x10d: {  	[sflag:s4] =	ssyncset.done $0x0  }
0x10e: {  	[sflag:s4] =	ssyncadd.s32 $0xFFFFF800  }
0x10f: {  	_ =	swait.ge [sflag:s4], $0x800  }
0x110: {  	[sflag:s4] =	ssyncset.done $0x0  }
0x111: {  	[sflag:s4] =	ssyncadd.s32 $0xFFFFF800  }
0x112: {  	_ =	swait.ge [sflag:s4], $0x800  }
0x113: {  	[sflag:s4] =	ssyncset.done $0x0  }
0x114: {  	[sflag:s4] =	ssyncadd.s32 $0xFFFFF800  }
0x115: {  	_ =	swait.ge [sflag:s4], $0x800  }
0x116: {  	[sflag:s4] =	ssyncset.done $0x0  }
0x117: {  	[sflag:s4] =	ssyncadd.s32 $0xFFFFF800  }
0x118: {  	_ =	swait.ge [sflag:s4], $0x800  }
0x119: {  	[sflag:s4] =	ssyncset.done $0x0  }
0x11a: {  	[sflag:s4] =	ssyncadd.s32 $0xFFFFF800  }
0x11b: {  	_ =	swait.ge [sflag:s4], $0x800  }
0x11c: {  	[sflag:s4] =	ssyncset.done $0x0  }
0x11d: {  	[sflag:s4] =	ssyncadd.s32 $0xFFFFF800  }
0x11e: {  	_ =	swait.ge [sflag:s4], $0x800  }
0x11f: {  	[sflag:s4] =	ssyncset.done $0x0  }
0x120: {  	[sflag:s4] =	ssyncadd.s32 $0xFFFFF800  }
0x121: {  	_ =	swait.ge [sflag:s4], $0x800  }
0x122: {  	[sflag:s4] =	ssyncset.done $0x0  }
0x123: {  	[sflag:s4] =	ssyncadd.s32 $0xFFFFF800  }
0x124: {  	_ =	swait.ge [sflag:s4], $0x800  }
0x125: {  	[sflag:s4] =	ssyncset.done $0x0  }
0x126: {  	[sflag:s4] =	ssyncadd.s32 $0xFFFFF800  }
0x127: {  	p1 =	sne.s32 s8, $0x1;
	_ =	swait.ge [sflag:s4], $0x800  }
.Ltmp1:
0x128: {  	[sflag:s4] =	ssyncset.done $0x0;
	(pc) =	sbr.rel @!p1 .LBB2_3-.Ltmp1, $4  }
0x129: {  	s1 =	rddreg [dreg:$0x5];
	[sflag:s4] =	ssyncadd.s32 $0xFFFFF800  }
0x12a: {  	[hbm4b:s1+s2] =	stream.linear.scatter [tilespmem:s3], [sflag:$0x3], $0x800, $0x38;
	[tilespmem:$0x2100] =	vst v63  }
0x12b: {  	p0 =	por $0x1, $0x1;
	_ =	swait.ge [sflag:s5], $0x800  }
0x12c: {  	s1 =	sadd.s32 $0xFFFFFFFF, s8;
	s0 =	rddreg [dreg:$0x4];
	[sflag:s5] =	ssyncset.done $0x0  }
.LBB2_4:
0x12d: {  	[sflag:s5] =	ssyncadd.s32 $0xFFFFF800  }
0x12e: {  	[tilespmem:s2], [sflag:$0x1] =	stream.linear.gather [hbm4b:s0+s2], $0x1900, $0x38;
	[tilespmem:$0x2100] =	vst v63  }
0x12f: {  	s8 =	rddreg [dreg:$0x3]  }
0x130: {  	[tilespmem:s3], [sflag:$0x2] =	stream.linear.gather [hbm4b:s8+s2], $0x800, $0x38;
	[tilespmem:$0x2100] =	vst v63  }
0x131: {  	_ =	swait.ge [sflag:s31], $0x1900  }
0x132: {  	[sflag:s31] =	ssyncset.done $0x0  }
0x133: {  	[sflag:s31] =	ssyncadd.s32 $0xFFFFE700  }
0x134: {  	_ =	swait.ge [sflag:s4], $0x800  }
0x135: {  	[sflag:s4] =	ssyncset.done $0x0  }
0x136: {  	[sflag:s4] =	ssyncadd.s32 $0xFFFFF800  }
0x137: {  	[tilespmem:s3], [sflag:$0x2] =	stream.indirect.gather.add.f32 [hbm:s6], $0x10, s2, s7, $0xb8;
	[tilespmem:$0x2100] =	vst v63  }
0x138: {  	_ = 	snop  }
0x139: {  	[tilespmem:s3], [sflag:$0x2] =	stream.indirect.gather.add.f32 [hbm:s6], $0x10, s7, s7, $0xb8;
	[tilespmem:$0x2100] =	vst v63  }
0x13a: {  	s0 =	rddreg [dreg:$0x6]  }
0x13b: {  	[tilespmem:s3], [sflag:$0x2] =	stream.indirect.gather.add.f32 [hbm:s6], $0x10, s0, s7, $0xb8;
	[tilespmem:$0x2100] =	vst v63  }
0x13c: {  	s8 =	rddreg [dreg:$0x7]  }
0x13d: {  	[tilespmem:s3], [sflag:$0x2] =	stream.indirect.gather.add.f32 [hbm:s6], $0x10, s8, s7, $0xb8;
	[tilespmem:$0x2100] =	vst v63  }
0x13e: {  	s0 =	rddreg [dreg:$0x8]  }
0x13f: {  	[tilespmem:s3], [sflag:$0x2] =	stream.indirect.gather.add.f32 [hbm:s6], $0x10, s0, s7, $0xb8;
	[tilespmem:$0x2100] =	vst v63  }
0x140: {  	s8 =	rddreg [dreg:$0x9]  }
0x141: {  	[tilespmem:s3], [sflag:$0x2] =	stream.indirect.gather.add.f32 [hbm:s6], $0x10, s8, s7, $0xb8;
	[tilespmem:$0x2100] =	vst v63  }
0x142: {  	s0 =	rddreg [dreg:$0xa]  }
0x143: {  	[tilespmem:s3], [sflag:$0x2] =	stream.indirect.gather.add.f32 [hbm:s6], $0x10, s0, s7, $0xb8;
	[tilespmem:$0x2100] =	vst v63  }
0x144: {  	s8 =	rddreg [dreg:$0xb]  }
0x145: {  	[tilespmem:s3], [sflag:$0x2] =	stream.indirect.gather.add.f32 [hbm:s6], $0x10, s8, s7, $0xb8;
	[tilespmem:$0x2100] =	vst v63  }
0x146: {  	s0 =	rddreg [dreg:$0xc]  }
0x147: {  	[tilespmem:s3], [sflag:$0x2] =	stream.indirect.gather.add.f32 [hbm:s6], $0x10, s0, s7, $0xb8;
	[tilespmem:$0x2100] =	vst v63  }
0x148: {  	s8 =	rddreg [dreg:$0xd]  }
0x149: {  	[tilespmem:s3], [sflag:$0x2] =	stream.indirect.gather.add.f32 [hbm:s6], $0x10, s8, s7, $0xb8;
	[tilespmem:$0x2100] =	vst v63  }
0x14a: {  	s0 =	rddreg [dreg:$0xe]  }
0x14b: {  	[tilespmem:s3], [sflag:$0x2] =	stream.indirect.gather.add.f32 [hbm:s6], $0x10, s0, s7, $0xb8;
	[tilespmem:$0x2100] =	vst v63  }
0x14c: {  	s8 =	rddreg [dreg:$0xf]  }
0x14d: {  	[tilespmem:s3], [sflag:$0x2] =	stream.indirect.gather.add.f32 [hbm:s6], $0x10, s8, s7, $0xb8;
	[tilespmem:$0x2100] =	vst v63  }
0x14e: {  	s0 =	rddreg [dreg:$0x10]  }
0x14f: {  	[tilespmem:s3], [sflag:$0x2] =	stream.indirect.gather.add.f32 [hbm:s6], $0x10, s0, s7, $0xb8;
	[tilespmem:$0x2100] =	vst v63  }
0x150: {  	s8 =	rddreg [dreg:$0x11]  }
0x151: {  	[tilespmem:s3], [sflag:$0x2] =	stream.indirect.gather.add.f32 [hbm:s6], $0x10, s8, s7, $0xb8;
	[tilespmem:$0x2100] =	vst v63  }
0x152: {  	s0 =	rddreg [dreg:$0x12]  }
0x153: {  	[tilespmem:s3], [sflag:$0x2] =	stream.indirect.gather.add.f32 [hbm:s6], $0x10, s0, s7, $0xb8;
	[tilespmem:$0x2100] =	vst v63  }
0x154: {  	s8 =	rddreg [dreg:$0x13]  }
0x155: {  	[tilespmem:s3], [sflag:$0x2] =	stream.indirect.gather.add.f32 [hbm:s6], $0x10, s8, s7, $0xb8;
	[tilespmem:$0x2100] =	vst v63  }
0x156: {  	s0 =	rddreg [dreg:$0x14]  }
0x157: {  	[tilespmem:s3], [sflag:$0x2] =	stream.indirect.gather.add.f32 [hbm:s6], $0x10, s0, s7, $0xb8;
	[tilespmem:$0x2100] =	vst v63  }
0x158: {  	s8 =	rddreg [dreg:$0x15]  }
0x159: {  	[tilespmem:s3], [sflag:$0x2] =	stream.indirect.gather.add.f32 [hbm:s6], $0x10, s8, s7, $0xb8;
	[tilespmem:$0x2100] =	vst v63  }
0x15a: {  	s0 =	rddreg [dreg:$0x16]  }
0x15b: {  	[tilespmem:s3], [sflag:$0x2] =	stream.indirect.gather.add.f32 [hbm:s6], $0x10, s0, s7, $0xb8;
	[tilespmem:$0x2100] =	vst v63  }
0x15c: {  	s8 =	rddreg [dreg:$0x17]  }
0x15d: {  	[tilespmem:s3], [sflag:$0x2] =	stream.indirect.gather.add.f32 [hbm:s6], $0x10, s8, s7, $0xb8;
	[tilespmem:$0x2100] =	vst v63  }
0x15e: {  	s0 =	rddreg [dreg:$0x18]  }
0x15f: {  	[tilespmem:s3], [sflag:$0x2] =	stream.indirect.gather.add.f32 [hbm:s6], $0x10, s0, s7, $0xb8;
	[tilespmem:$0x2100] =	vst v63  }
0x160: {  	s8 =	rddreg [dreg:$0x19]  }
0x161: {  	[tilespmem:s3], [sflag:$0x2] =	stream.indirect.gather.add.f32 [hbm:s6], $0x10, s8, s7, $0xb8;
	[tilespmem:$0x2100] =	vst v63  }
0x162: {  	s0 =	rddreg [dreg:$0x1a]  }
0x163: {  	[tilespmem:s3], [sflag:$0x2] =	stream.indirect.gather.add.f32 [hbm:s6], $0x10, s0, s7, $0xb8;
	[tilespmem:$0x2100] =	vst v63  }
0x164: {  	s8 =	rddreg [dreg:$0x1b]  }
0x165: {  	[tilespmem:s3], [sflag:$0x2] =	stream.indirect.gather.add.f32 [hbm:s6], $0x10, s8, s7, $0xb8;
	[tilespmem:$0x2100] =	vst v63  }
0x166: {  	s0 =	rddreg [dreg:$0x1c]  }
0x167: {  	[tilespmem:s3], [sflag:$0x2] =	stream.indirect.gather.add.f32 [hbm:s6], $0x10, s0, s7, $0xb8;
	[tilespmem:$0x2100] =	vst v63  }
0x168: {  	s8 =	rddreg [dreg:$0x1d]  }
0x169: {  	[tilespmem:s3], [sflag:$0x2] =	stream.indirect.gather.add.f32 [hbm:s6], $0x10, s8, s7, $0xb8;
	[tilespmem:$0x2100] =	vst v63  }
0x16a: {  	s0 =	rddreg [dreg:$0x1e]  }
0x16b: {  	[tilespmem:s3], [sflag:$0x2] =	stream.indirect.gather.add.f32 [hbm:s6], $0x10, s0, s7, $0xb8;
	[tilespmem:$0x2100] =	vst v63  }
0x16c: {  	s8 =	rddreg [dreg:$0x1f]  }
0x16d: {  	[tilespmem:s3], [sflag:$0x2] =	stream.indirect.gather.add.f32 [hbm:s6], $0x10, s8, s7, $0xb8;
	[tilespmem:$0x2100] =	vst v63  }
0x16e: {  	s8 =	simm.s32 $0xE00  }
0x16f: {  	[tilespmem:s3], [sflag:$0x2] =	stream.indirect.gather.add.f32 [hbm:s6], $0x10, s8, s7, $0xb8;
	[tilespmem:$0x2100] =	vst v63  }
0x170: {  	_ = 	snop  }
0x171: {  	[tilespmem:s3], [sflag:$0x2] =	stream.indirect.gather.add.f32 [hbm:s6], $0x10, s10, s7, $0xb8;
	[tilespmem:$0x2100] =	vst v63  }
0x172: {  	_ = 	snop  }
0x173: {  	[tilespmem:s3], [sflag:$0x2] =	stream.indirect.gather.add.f32 [hbm:s6], $0x10, s11, s7, $0xb8;
	[tilespmem:$0x2100] =	vst v63  }
0x174: {  	_ = 	snop  }
0x175: {  	[tilespmem:s3], [sflag:$0x2] =	stream.indirect.gather.add.f32 [hbm:s6], $0x10, s12, s7, $0xb8;
	[tilespmem:$0x2100] =	vst v63  }
0x176: {  	_ = 	snop  }
0x177: {  	[tilespmem:s3], [sflag:$0x2] =	stream.indirect.gather.add.f32 [hbm:s6], $0x10, s13, s7, $0xb8;
	[tilespmem:$0x2100] =	vst v63  }
0x178: {  	_ = 	snop  }
0x179: {  	[tilespmem:s3], [sflag:$0x2] =	stream.indirect.gather.add.f32 [hbm:s6], $0x10, s14, s7, $0xb8;
	[tilespmem:$0x2100] =	vst v63  }
0x17a: {  	_ = 	snop  }
0x17b: {  	[tilespmem:s3], [sflag:$0x2] =	stream.indirect.gather.add.f32 [hbm:s6], $0x10, s15, s7, $0xb8;
	[tilespmem:$0x2100] =	vst v63  }
0x17c: {  	_ = 	snop  }
0x17d: {  	[tilespmem:s3], [sflag:$0x2] =	stream.indirect.gather.add.f32 [hbm:s6], $0x10, s16, s7, $0xb8;
	[tilespmem:$0x2100] =	vst v63  }
0x17e: {  	_ = 	snop  }
0x17f: {  	[tilespmem:s3], [sflag:$0x2] =	stream.indirect.gather.add.f32 [hbm:s6], $0x10, s17, s7, $0xb8;
	[tilespmem:$0x2100] =	vst v63  }
0x180: {  	_ = 	snop  }
0x181: {  	[tilespmem:s3], [sflag:$0x2] =	stream.indirect.gather.add.f32 [hbm:s6], $0x10, s18, s7, $0xb8;
	[tilespmem:$0x2100] =	vst v63  }
0x182: {  	_ = 	snop  }
0x183: {  	[tilespmem:s3], [sflag:$0x2] =	stream.indirect.gather.add.f32 [hbm:s6], $0x10, s19, s7, $0xb8;
	[tilespmem:$0x2100] =	vst v63  }
0x184: {  	_ = 	snop  }
0x185: {  	[tilespmem:s3], [sflag:$0x2] =	stream.indirect.gather.add.f32 [hbm:s6], $0x10, s20, s7, $0xb8;
	[tilespmem:$0x2100] =	vst v63  }
0x186: {  	_ = 	snop  }
0x187: {  	[tilespmem:s3], [sflag:$0x2] =	stream.indirect.gather.add.f32 [hbm:s6], $0x10, s21, s7, $0xb8;
	[tilespmem:$0x2100] =	vst v63  }
0x188: {  	_ = 	snop  }
0x189: {  	[tilespmem:s3], [sflag:$0x2] =	stream.indirect.gather.add.f32 [hbm:s6], $0x10, s22, s7, $0xb8;
	[tilespmem:$0x2100] =	vst v63  }
0x18a: {  	_ = 	snop  }
0x18b: {  	[tilespmem:s3], [sflag:$0x2] =	stream.indirect.gather.add.f32 [hbm:s6], $0x10, s23, s7, $0xb8;
	[tilespmem:$0x2100] =	vst v63  }
0x18c: {  	_ = 	snop  }
0x18d: {  	[tilespmem:s3], [sflag:$0x2] =	stream.indirect.gather.add.f32 [hbm:s6], $0x10, s24, s7, $0xb8;
	[tilespmem:$0x2100] =	vst v63  }
0x18e: {  	_ = 	snop  }
0x18f: {  	[tilespmem:s3], [sflag:$0x2] =	stream.indirect.gather.add.f32 [hbm:s6], $0x10, s25, s7, $0xb8;
	[tilespmem:$0x2100] =	vst v63  }
0x190: {  	_ = 	snop  }
0x191: {  	[tilespmem:s3], [sflag:$0x2] =	stream.indirect.gather.add.f32 [hbm:s6], $0x10, s26, s7, $0xb8;
	[tilespmem:$0x2100] =	vst v63  }
0x192: {  	_ = 	snop  }
0x193: {  	[tilespmem:s3], [sflag:$0x2] =	stream.indirect.gather.add.f32 [hbm:s6], $0x10, s28, s7, $0xb8;
	[tilespmem:$0x2100] =	vst v63  }
0x194: {  	_ = 	snop  }
0x195: {  	[tilespmem:s3], [sflag:$0x2] =	stream.indirect.gather.add.f32 [hbm:s6], $0x10, s29, s7, $0xb8;
	[tilespmem:$0x2100] =	vst v63  }
0x196: {  	_ = 	snop  }
0x197: {  	[tilespmem:s3], [sflag:$0x2] =	stream.indirect.gather.add.f32 [hbm:s6], $0x10, s30, s7, $0xb8;
	[tilespmem:$0x2100] =	vst v63  }
0x198: {  	_ = 	snop  }
0x199: {  	[tilespmem:s3], [sflag:$0x2] =	stream.indirect.gather.add.f32 [hbm:s6], $0x10, s9, s7, $0xb8;
	[tilespmem:$0x2100] =	vst v63  }
0x19a: {  	_ =	swait.ge [sflag:s4], $0x800  }
0x19b: {  	[sflag:s4] =	ssyncset.done $0x0  }
0x19c: {  	[sflag:s4] =	ssyncadd.s32 $0xFFFFF800  }
0x19d: {  	_ =	swait.ge [sflag:s4], $0x800  }
0x19e: {  	[sflag:s4] =	ssyncset.done $0x0  }
0x19f: {  	[sflag:s4] =	ssyncadd.s32 $0xFFFFF800  }
0x1a0: {  	_ =	swait.ge [sflag:s4], $0x800  }
0x1a1: {  	[sflag:s4] =	ssyncset.done $0x0  }
0x1a2: {  	[sflag:s4] =	ssyncadd.s32 $0xFFFFF800  }
0x1a3: {  	_ =	swait.ge [sflag:s4], $0x800  }
0x1a4: {  	[sflag:s4] =	ssyncset.done $0x0  }
0x1a5: {  	[sflag:s4] =	ssyncadd.s32 $0xFFFFF800  }
0x1a6: {  	_ =	swait.ge [sflag:s4], $0x800  }
0x1a7: {  	[sflag:s4] =	ssyncset.done $0x0  }
0x1a8: {  	[sflag:s4] =	ssyncadd.s32 $0xFFFFF800  }
0x1a9: {  	_ =	swait.ge [sflag:s4], $0x800  }
0x1aa: {  	[sflag:s4] =	ssyncset.done $0x0  }
0x1ab: {  	[sflag:s4] =	ssyncadd.s32 $0xFFFFF800  }
0x1ac: {  	_ =	swait.ge [sflag:s4], $0x800  }
0x1ad: {  	[sflag:s4] =	ssyncset.done $0x0  }
0x1ae: {  	[sflag:s4] =	ssyncadd.s32 $0xFFFFF800  }
0x1af: {  	_ =	swait.ge [sflag:s4], $0x800  }
0x1b0: {  	[sflag:s4] =	ssyncset.done $0x0  }
0x1b1: {  	[sflag:s4] =	ssyncadd.s32 $0xFFFFF800  }
0x1b2: {  	_ =	swait.ge [sflag:s4], $0x800  }
0x1b3: {  	[sflag:s4] =	ssyncset.done $0x0  }
0x1b4: {  	[sflag:s4] =	ssyncadd.s32 $0xFFFFF800  }
0x1b5: {  	_ =	swait.ge [sflag:s4], $0x800  }
0x1b6: {  	[sflag:s4] =	ssyncset.done $0x0  }
0x1b7: {  	[sflag:s4] =	ssyncadd.s32 $0xFFFFF800  }
0x1b8: {  	_ =	swait.ge [sflag:s4], $0x800  }
0x1b9: {  	[sflag:s4] =	ssyncset.done $0x0  }
0x1ba: {  	[sflag:s4] =	ssyncadd.s32 $0xFFFFF800  }
0x1bb: {  	_ =	swait.ge [sflag:s4], $0x800  }
0x1bc: {  	[sflag:s4] =	ssyncset.done $0x0  }
0x1bd: {  	[sflag:s4] =	ssyncadd.s32 $0xFFFFF800  }
0x1be: {  	_ =	swait.ge [sflag:s4], $0x800  }
0x1bf: {  	[sflag:s4] =	ssyncset.done $0x0  }
0x1c0: {  	[sflag:s4] =	ssyncadd.s32 $0xFFFFF800  }
0x1c1: {  	_ =	swait.ge [sflag:s4], $0x800  }
0x1c2: {  	[sflag:s4] =	ssyncset.done $0x0  }
0x1c3: {  	[sflag:s4] =	ssyncadd.s32 $0xFFFFF800  }
0x1c4: {  	_ =	swait.ge [sflag:s4], $0x800  }
0x1c5: {  	[sflag:s4] =	ssyncset.done $0x0  }
0x1c6: {  	[sflag:s4] =	ssyncadd.s32 $0xFFFFF800  }
0x1c7: {  	_ =	swait.ge [sflag:s4], $0x800  }
0x1c8: {  	[sflag:s4] =	ssyncset.done $0x0  }
0x1c9: {  	[sflag:s4] =	ssyncadd.s32 $0xFFFFF800  }
0x1ca: {  	_ =	swait.ge [sflag:s4], $0x800  }
0x1cb: {  	[sflag:s4] =	ssyncset.done $0x0  }
0x1cc: {  	[sflag:s4] =	ssyncadd.s32 $0xFFFFF800  }
0x1cd: {  	_ =	swait.ge [sflag:s4], $0x800  }
0x1ce: {  	[sflag:s4] =	ssyncset.done $0x0  }
0x1cf: {  	[sflag:s4] =	ssyncadd.s32 $0xFFFFF800  }
0x1d0: {  	_ =	swait.ge [sflag:s4], $0x800  }
0x1d1: {  	[sflag:s4] =	ssyncset.done $0x0  }
0x1d2: {  	[sflag:s4] =	ssyncadd.s32 $0xFFFFF800  }
0x1d3: {  	_ =	swait.ge [sflag:s4], $0x800  }
0x1d4: {  	[sflag:s4] =	ssyncset.done $0x0  }
0x1d5: {  	[sflag:s4] =	ssyncadd.s32 $0xFFFFF800  }
0x1d6: {  	_ =	swait.ge [sflag:s4], $0x800  }
0x1d7: {  	[sflag:s4] =	ssyncset.done $0x0  }
0x1d8: {  	[sflag:s4] =	ssyncadd.s32 $0xFFFFF800  }
0x1d9: {  	_ =	swait.ge [sflag:s4], $0x800  }
0x1da: {  	[sflag:s4] =	ssyncset.done $0x0  }
0x1db: {  	[sflag:s4] =	ssyncadd.s32 $0xFFFFF800  }
0x1dc: {  	_ =	swait.ge [sflag:s4], $0x800  }
0x1dd: {  	[sflag:s4] =	ssyncset.done $0x0  }
0x1de: {  	[sflag:s4] =	ssyncadd.s32 $0xFFFFF800  }
0x1df: {  	_ =	swait.ge [sflag:s4], $0x800  }
0x1e0: {  	[sflag:s4] =	ssyncset.done $0x0  }
0x1e1: {  	[sflag:s4] =	ssyncadd.s32 $0xFFFFF800  }
0x1e2: {  	_ =	swait.ge [sflag:s4], $0x800  }
0x1e3: {  	[sflag:s4] =	ssyncset.done $0x0  }
0x1e4: {  	[sflag:s4] =	ssyncadd.s32 $0xFFFFF800  }
0x1e5: {  	_ =	swait.ge [sflag:s4], $0x800  }
0x1e6: {  	[sflag:s4] =	ssyncset.done $0x0  }
0x1e7: {  	[sflag:s4] =	ssyncadd.s32 $0xFFFFF800  }
0x1e8: {  	_ =	swait.ge [sflag:s4], $0x800  }
0x1e9: {  	[sflag:s4] =	ssyncset.done $0x0  }
0x1ea: {  	[sflag:s4] =	ssyncadd.s32 $0xFFFFF800  }
0x1eb: {  	_ =	swait.ge [sflag:s4], $0x800  }
0x1ec: {  	[sflag:s4] =	ssyncset.done $0x0  }
0x1ed: {  	[sflag:s4] =	ssyncadd.s32 $0xFFFFF800  }
0x1ee: {  	_ =	swait.ge [sflag:s4], $0x800  }
0x1ef: {  	[sflag:s4] =	ssyncset.done $0x0  }
0x1f0: {  	[sflag:s4] =	ssyncadd.s32 $0xFFFFF800  }
0x1f1: {  	_ =	swait.ge [sflag:s4], $0x800  }
0x1f2: {  	[sflag:s4] =	ssyncset.done $0x0  }
0x1f3: {  	[sflag:s4] =	ssyncadd.s32 $0xFFFFF800  }
0x1f4: {  	_ =	swait.ge [sflag:s4], $0x800  }
0x1f5: {  	[sflag:s4] =	ssyncset.done $0x0  }
0x1f6: {  	[sflag:s4] =	ssyncadd.s32 $0xFFFFF800  }
0x1f7: {  	_ =	swait.ge [sflag:s4], $0x800  }
0x1f8: {  	[sflag:s4] =	ssyncset.done $0x0  }
0x1f9: {  	[sflag:s4] =	ssyncadd.s32 $0xFFFFF800  }
0x1fa: {  	_ =	swait.ge [sflag:s4], $0x800  }
0x1fb: {  	[sflag:s4] =	ssyncset.done $0x0  }
0x1fc: {  	[sflag:s4] =	ssyncadd.s32 $0xFFFFF800  }
0x1fd: {  	_ =	swait.ge [sflag:s4], $0x800  }
0x1fe: {  	[sflag:s4] =	ssyncset.done $0x0  }
0x1ff: {  	[sflag:s4] =	ssyncadd.s32 $0xFFFFF800  }
0x200: {  	_ =	swait.ge [sflag:s4], $0x800  }
0x201: {  	[sflag:s4] =	ssyncset.done $0x0  }
0x202: {  	[sflag:s4] =	ssyncadd.s32 $0xFFFFF800  }
0x203: {  	_ =	swait.ge [sflag:s4], $0x800  }
0x204: {  	[sflag:s4] =	ssyncset.done $0x0  }
0x205: {  	[sflag:s4] =	ssyncadd.s32 $0xFFFFF800  }
0x206: {  	_ =	swait.ge [sflag:s4], $0x800  }
0x207: {  	[sflag:s4] =	ssyncset.done $0x0  }
0x208: {  	[sflag:s4] =	ssyncadd.s32 $0xFFFFF800  }
0x209: {  	_ =	swait.ge [sflag:s4], $0x800  }
0x20a: {  	[sflag:s4] =	ssyncset.done $0x0  }
0x20b: {  	[sflag:s4] =	ssyncadd.s32 $0xFFFFF800  }
0x20c: {  	_ =	swait.ge [sflag:s4], $0x800  }
0x20d: {  	[sflag:s4] =	ssyncset.done $0x0  }
0x20e: {  	[sflag:s4] =	ssyncadd.s32 $0xFFFFF800  }
0x20f: {  	_ =	swait.ge [sflag:s4], $0x800  }
0x210: {  	[sflag:s4] =	ssyncset.done $0x0  }
0x211: {  	[sflag:s4] =	ssyncadd.s32 $0xFFFFF800  }
0x212: {  	_ =	swait.ge [sflag:s4], $0x800  }
0x213: {  	[sflag:s4] =	ssyncset.done $0x0  }
0x214: {  	[sflag:s4] =	ssyncadd.s32 $0xFFFFF800  }
0x215: {  	_ =	swait.ge [sflag:s4], $0x800  }
0x216: {  	[sflag:s4] =	ssyncset.done $0x0  }
0x217: {  	[sflag:s4] =	ssyncadd.s32 $0xFFFFF800  }
0x218: {  	_ =	swait.ge [sflag:s4], $0x800  }
0x219: {  	[sflag:s4] =	ssyncset.done $0x0  }
0x21a: {  	[sflag:s4] =	ssyncadd.s32 $0xFFFFF800  }
0x21b: {  	_ =	swait.ge [sflag:s4], $0x800  }
0x21c: {  	[sflag:s4] =	ssyncset.done $0x0  }
0x21d: {  	[sflag:s4] =	ssyncadd.s32 $0xFFFFF800  }
0x21e: {  	_ =	swait.ge [sflag:s4], $0x800  }
0x21f: {  	[sflag:s4] =	ssyncset.done $0x0  }
0x220: {  	[sflag:s4] =	ssyncadd.s32 $0xFFFFF800  }
0x221: {  	_ =	swait.ge [sflag:s4], $0x800  }
0x222: {  	[sflag:s4] =	ssyncset.done $0x0  }
0x223: {  	[sflag:s4] =	ssyncadd.s32 $0xFFFFF800  }
0x224: {  	_ =	swait.ge [sflag:s4], $0x800  }
0x225: {  	[sflag:s4] =	ssyncset.done $0x0  }
0x226: {  	[sflag:s4] =	ssyncadd.s32 $0xFFFFF800  }
0x227: {  	_ =	swait.ge [sflag:s4], $0x800  }
0x228: {  	[sflag:s4] =	ssyncset.done $0x0  }
0x229: {  	[sflag:s4] =	ssyncadd.s32 $0xFFFFF800  }
0x22a: {  	_ =	swait.ge [sflag:s4], $0x800  }
0x22b: {  	[sflag:s4] =	ssyncset.done $0x0  }
0x22c: {  	[sflag:s4] =	ssyncadd.s32 $0xFFFFF800  }
0x22d: {  	p1 =	sne.s32 s1, $0x1;
	_ =	swait.ge [sflag:s4], $0x800  }
.Ltmp2:
0x22e: {  	[sflag:s4] =	ssyncset.done $0x0;
	(pc) =	sbr.rel @p1 .LBB2_4-.Ltmp2, $4  }
0x22f: {  	s8 =	rddreg [dreg:$0x5];
	[sflag:s4] =	ssyncadd.s32 $0xFFFFF800  }
0x230: {  	[hbm4b:s8+s2] =	stream.linear.scatter [tilespmem:s3], [sflag:$0x3], $0x800, $0x38;
	[tilespmem:$0x2100] =	vst v63  }
0x231: {  	_ =	swait.ge [sflag:s5], $0x800  }
0x232: {  	s1 =	sadd.s32 $0xFFFFFFFF, s1;
	s0 =	rddreg [dreg:$0x4];
	[sflag:s5] =	ssyncset.done $0x0  }
0x233: {  	s8 =	simm.s32 $0x1880  }
0x234: {  	s30 =	simm.s32 $0x1800;
	s29 =	simm.s32 $0x1780;
	s28 =	simm.s32 $0x1700  }
0x235: {  	s26 =	simm.s32 $0x1680;
	s25 =	simm.s32 $0x1600;
	s24 =	simm.s32 $0x1580  }
0x236: {  	s23 =	simm.s32 $0x1500;
	s22 =	simm.s32 $0x1480;
	s21 =	simm.s32 $0x1400  }
0x237: {  	s20 =	simm.s32 $0x1380;
	s19 =	simm.s32 $0x1300;
	s18 =	simm.s32 $0x1280  }
0x238: {  	s17 =	simm.s32 $0x1200;
	s16 =	simm.s32 $0x1180;
	s15 =	simm.s32 $0x1100  }
0x239: {  	s14 =	simm.s32 $0x1080;
	s13 =	simm.s32 $0x1000;
	s12 =	simm.s32 $0xF80  }
0x23a: {  	s11 =	simm.s32 $0xF00;
	s10 =	simm.s32 $0xE80;
	s9 =	simm.s32 $0xE00  }
.LBB2_6:
0x23b: {  	[sflag:s5] =	ssyncadd.s32 @p0 $0xFFFFF800  }
0x23c: {  	[tilespmem:s2], [sflag:$0x1] =	stream.linear.gather [hbm4b:s0+s2], $0x1900, $0x38;
	[tilespmem:$0x2100] =	vst v63  }
0x23d: {  	s1 =	rddreg [dreg:$0x3]  }
0x23e: {  	[tilespmem:s3], [sflag:$0x2] =	stream.linear.gather [hbm4b:s1+s2], $0x800, $0x38;
	[tilespmem:$0x2100] =	vst v63  }
0x23f: {  	_ =	swait.ge [sflag:s31], $0x1900  }
0x240: {  	[sflag:s31] =	ssyncset.done $0x0  }
0x241: {  	[sflag:s31] =	ssyncadd.s32 $0xFFFFE700  }
0x242: {  	_ =	swait.ge [sflag:s4], $0x800  }
0x243: {  	[sflag:s4] =	ssyncset.done $0x0  }
0x244: {  	[sflag:s4] =	ssyncadd.s32 $0xFFFFF800  }
0x245: {  	[tilespmem:s3], [sflag:$0x2] =	stream.indirect.gather.add.f32 [hbm:s6], $0x10, s2, s7, $0xb8;
	[tilespmem:$0x2100] =	vst v63  }
0x246: {  	_ = 	snop  }
0x247: {  	[tilespmem:s3], [sflag:$0x2] =	stream.indirect.gather.add.f32 [hbm:s6], $0x10, s7, s7, $0xb8;
	[tilespmem:$0x2100] =	vst v63  }
0x248: {  	s1 =	rddreg [dreg:$0x6]  }
0x249: {  	[tilespmem:s3], [sflag:$0x2] =	stream.indirect.gather.add.f32 [hbm:s6], $0x10, s1, s7, $0xb8;
	[tilespmem:$0x2100] =	vst v63  }
0x24a: {  	s31 =	rddreg [dreg:$0x7]  }
0x24b: {  	[tilespmem:s3], [sflag:$0x2] =	stream.indirect.gather.add.f32 [hbm:s6], $0x10, s31, s7, $0xb8;
	[tilespmem:$0x2100] =	vst v63  }
0x24c: {  	s0 =	rddreg [dreg:$0x8]  }
0x24d: {  	[tilespmem:s3], [sflag:$0x2] =	stream.indirect.gather.add.f32 [hbm:s6], $0x10, s0, s7, $0xb8;
	[tilespmem:$0x2100] =	vst v63  }
0x24e: {  	s31 =	rddreg [dreg:$0x9]  }
0x24f: {  	[tilespmem:s3], [sflag:$0x2] =	stream.indirect.gather.add.f32 [hbm:s6], $0x10, s31, s7, $0xb8;
	[tilespmem:$0x2100] =	vst v63  }
0x250: {  	s0 =	rddreg [dreg:$0xa]  }
0x251: {  	[tilespmem:s3], [sflag:$0x2] =	stream.indirect.gather.add.f32 [hbm:s6], $0x10, s0, s7, $0xb8;
	[tilespmem:$0x2100] =	vst v63  }
0x252: {  	s31 =	rddreg [dreg:$0xb]  }
0x253: {  	[tilespmem:s3], [sflag:$0x2] =	stream.indirect.gather.add.f32 [hbm:s6], $0x10, s31, s7, $0xb8;
	[tilespmem:$0x2100] =	vst v63  }
0x254: {  	s0 =	rddreg [dreg:$0xc]  }
0x255: {  	[tilespmem:s3], [sflag:$0x2] =	stream.indirect.gather.add.f32 [hbm:s6], $0x10, s0, s7, $0xb8;
	[tilespmem:$0x2100] =	vst v63  }
0x256: {  	s31 =	rddreg [dreg:$0xd]  }
0x257: {  	[tilespmem:s3], [sflag:$0x2] =	stream.indirect.gather.add.f32 [hbm:s6], $0x10, s31, s7, $0xb8;
	[tilespmem:$0x2100] =	vst v63  }
0x258: {  	s0 =	rddreg [dreg:$0xe]  }
0x259: {  	[tilespmem:s3], [sflag:$0x2] =	stream.indirect.gather.add.f32 [hbm:s6], $0x10, s0, s7, $0xb8;
	[tilespmem:$0x2100] =	vst v63  }
0x25a: {  	s31 =	rddreg [dreg:$0xf]  }
0x25b: {  	[tilespmem:s3], [sflag:$0x2] =	stream.indirect.gather.add.f32 [hbm:s6], $0x10, s31, s7, $0xb8;
	[tilespmem:$0x2100] =	vst v63  }
0x25c: {  	s0 =	rddreg [dreg:$0x10]  }
0x25d: {  	[tilespmem:s3], [sflag:$0x2] =	stream.indirect.gather.add.f32 [hbm:s6], $0x10, s0, s7, $0xb8;
	[tilespmem:$0x2100] =	vst v63  }
0x25e: {  	s31 =	rddreg [dreg:$0x11]  }
0x25f: {  	[tilespmem:s3], [sflag:$0x2] =	stream.indirect.gather.add.f32 [hbm:s6], $0x10, s31, s7, $0xb8;
	[tilespmem:$0x2100] =	vst v63  }
0x260: {  	s0 =	rddreg [dreg:$0x12]  }
0x261: {  	[tilespmem:s3], [sflag:$0x2] =	stream.indirect.gather.add.f32 [hbm:s6], $0x10, s0, s7, $0xb8;
	[tilespmem:$0x2100] =	vst v63  }
0x262: {  	s31 =	rddreg [dreg:$0x13]  }
0x263: {  	[tilespmem:s3], [sflag:$0x2] =	stream.indirect.gather.add.f32 [hbm:s6], $0x10, s31, s7, $0xb8;
	[tilespmem:$0x2100] =	vst v63  }
0x264: {  	s0 =	rddreg [dreg:$0x14]  }
0x265: {  	[tilespmem:s3], [sflag:$0x2] =	stream.indirect.gather.add.f32 [hbm:s6], $0x10, s0, s7, $0xb8;
	[tilespmem:$0x2100] =	vst v63  }
0x266: {  	s31 =	rddreg [dreg:$0x15]  }
0x267: {  	[tilespmem:s3], [sflag:$0x2] =	stream.indirect.gather.add.f32 [hbm:s6], $0x10, s31, s7, $0xb8;
	[tilespmem:$0x2100] =	vst v63  }
0x268: {  	s0 =	rddreg [dreg:$0x16]  }
0x269: {  	[tilespmem:s3], [sflag:$0x2] =	stream.indirect.gather.add.f32 [hbm:s6], $0x10, s0, s7, $0xb8;
	[tilespmem:$0x2100] =	vst v63  }
0x26a: {  	s31 =	rddreg [dreg:$0x17]  }
0x26b: {  	[tilespmem:s3], [sflag:$0x2] =	stream.indirect.gather.add.f32 [hbm:s6], $0x10, s31, s7, $0xb8;
	[tilespmem:$0x2100] =	vst v63  }
0x26c: {  	s0 =	rddreg [dreg:$0x18]  }
0x26d: {  	[tilespmem:s3], [sflag:$0x2] =	stream.indirect.gather.add.f32 [hbm:s6], $0x10, s0, s7, $0xb8;
	[tilespmem:$0x2100] =	vst v63  }
0x26e: {  	s31 =	rddreg [dreg:$0x19]  }
0x26f: {  	[tilespmem:s3], [sflag:$0x2] =	stream.indirect.gather.add.f32 [hbm:s6], $0x10, s31, s7, $0xb8;
	[tilespmem:$0x2100] =	vst v63  }
0x270: {  	s0 =	rddreg [dreg:$0x1a]  }
0x271: {  	[tilespmem:s3], [sflag:$0x2] =	stream.indirect.gather.add.f32 [hbm:s6], $0x10, s0, s7, $0xb8;
	[tilespmem:$0x2100] =	vst v63  }
0x272: {  	s31 =	rddreg [dreg:$0x1b]  }
0x273: {  	[tilespmem:s3], [sflag:$0x2] =	stream.indirect.gather.add.f32 [hbm:s6], $0x10, s31, s7, $0xb8;
	[tilespmem:$0x2100] =	vst v63  }
0x274: {  	s0 =	rddreg [dreg:$0x1c]  }
0x275: {  	[tilespmem:s3], [sflag:$0x2] =	stream.indirect.gather.add.f32 [hbm:s6], $0x10, s0, s7, $0xb8;
	[tilespmem:$0x2100] =	vst v63  }
0x276: {  	s31 =	rddreg [dreg:$0x1d]  }
0x277: {  	[tilespmem:s3], [sflag:$0x2] =	stream.indirect.gather.add.f32 [hbm:s6], $0x10, s31, s7, $0xb8;
	[tilespmem:$0x2100] =	vst v63  }
0x278: {  	s0 =	rddreg [dreg:$0x1e]  }
0x279: {  	[tilespmem:s3], [sflag:$0x2] =	stream.indirect.gather.add.f32 [hbm:s6], $0x10, s0, s7, $0xb8;
	[tilespmem:$0x2100] =	vst v63  }
0x27a: {  	s31 =	rddreg [dreg:$0x1f]  }
0x27b: {  	[tilespmem:s3], [sflag:$0x2] =	stream.indirect.gather.add.f32 [hbm:s6], $0x10, s31, s7, $0xb8;
	[tilespmem:$0x2100] =	vst v63  }
0x27c: {  	_ = 	snop  }
0x27d: {  	[tilespmem:s3], [sflag:$0x2] =	stream.indirect.gather.add.f32 [hbm:s6], $0x10, s9, s7, $0xb8;
	[tilespmem:$0x2100] =	vst v63  }
0x27e: {  	_ = 	snop  }
0x27f: {  	[tilespmem:s3], [sflag:$0x2] =	stream.indirect.gather.add.f32 [hbm:s6], $0x10, s10, s7, $0xb8;
	[tilespmem:$0x2100] =	vst v63  }
0x280: {  	_ = 	snop  }
0x281: {  	[tilespmem:s3], [sflag:$0x2] =	stream.indirect.gather.add.f32 [hbm:s6], $0x10, s11, s7, $0xb8;
	[tilespmem:$0x2100] =	vst v63  }
0x282: {  	_ = 	snop  }
0x283: {  	[tilespmem:s3], [sflag:$0x2] =	stream.indirect.gather.add.f32 [hbm:s6], $0x10, s12, s7, $0xb8;
	[tilespmem:$0x2100] =	vst v63  }
0x284: {  	_ = 	snop  }
0x285: {  	[tilespmem:s3], [sflag:$0x2] =	stream.indirect.gather.add.f32 [hbm:s6], $0x10, s13, s7, $0xb8;
	[tilespmem:$0x2100] =	vst v63  }
0x286: {  	_ = 	snop  }
0x287: {  	[tilespmem:s3], [sflag:$0x2] =	stream.indirect.gather.add.f32 [hbm:s6], $0x10, s14, s7, $0xb8;
	[tilespmem:$0x2100] =	vst v63  }
0x288: {  	_ = 	snop  }
0x289: {  	[tilespmem:s3], [sflag:$0x2] =	stream.indirect.gather.add.f32 [hbm:s6], $0x10, s15, s7, $0xb8;
	[tilespmem:$0x2100] =	vst v63  }
0x28a: {  	_ = 	snop  }
0x28b: {  	[tilespmem:s3], [sflag:$0x2] =	stream.indirect.gather.add.f32 [hbm:s6], $0x10, s16, s7, $0xb8;
	[tilespmem:$0x2100] =	vst v63  }
0x28c: {  	_ = 	snop  }
0x28d: {  	[tilespmem:s3], [sflag:$0x2] =	stream.indirect.gather.add.f32 [hbm:s6], $0x10, s17, s7, $0xb8;
	[tilespmem:$0x2100] =	vst v63  }
0x28e: {  	_ = 	snop  }
0x28f: {  	[tilespmem:s3], [sflag:$0x2] =	stream.indirect.gather.add.f32 [hbm:s6], $0x10, s18, s7, $0xb8;
	[tilespmem:$0x2100] =	vst v63  }
0x290: {  	_ = 	snop  }
0x291: {  	[tilespmem:s3], [sflag:$0x2] =	stream.indirect.gather.add.f32 [hbm:s6], $0x10, s19, s7, $0xb8;
	[tilespmem:$0x2100] =	vst v63  }
0x292: {  	_ = 	snop  }
0x293: {  	[tilespmem:s3], [sflag:$0x2] =	stream.indirect.gather.add.f32 [hbm:s6], $0x10, s20, s7, $0xb8;
	[tilespmem:$0x2100] =	vst v63  }
0x294: {  	_ = 	snop  }
0x295: {  	[tilespmem:s3], [sflag:$0x2] =	stream.indirect.gather.add.f32 [hbm:s6], $0x10, s21, s7, $0xb8;
	[tilespmem:$0x2100] =	vst v63  }
0x296: {  	_ = 	snop  }
0x297: {  	[tilespmem:s3], [sflag:$0x2] =	stream.indirect.gather.add.f32 [hbm:s6], $0x10, s22, s7, $0xb8;
	[tilespmem:$0x2100] =	vst v63  }
0x298: {  	_ = 	snop  }
0x299: {  	[tilespmem:s3], [sflag:$0x2] =	stream.indirect.gather.add.f32 [hbm:s6], $0x10, s23, s7, $0xb8;
	[tilespmem:$0x2100] =	vst v63  }
0x29a: {  	_ = 	snop  }
0x29b: {  	[tilespmem:s3], [sflag:$0x2] =	stream.indirect.gather.add.f32 [hbm:s6], $0x10, s24, s7, $0xb8;
	[tilespmem:$0x2100] =	vst v63  }
0x29c: {  	_ = 	snop  }
0x29d: {  	[tilespmem:s3], [sflag:$0x2] =	stream.indirect.gather.add.f32 [hbm:s6], $0x10, s25, s7, $0xb8;
	[tilespmem:$0x2100] =	vst v63  }
0x29e: {  	_ = 	snop  }
0x29f: {  	[tilespmem:s3], [sflag:$0x2] =	stream.indirect.gather.add.f32 [hbm:s6], $0x10, s26, s7, $0xb8;
	[tilespmem:$0x2100] =	vst v63  }
0x2a0: {  	_ = 	snop  }
0x2a1: {  	[tilespmem:s3], [sflag:$0x2] =	stream.indirect.gather.add.f32 [hbm:s6], $0x10, s28, s7, $0xb8;
	[tilespmem:$0x2100] =	vst v63  }
0x2a2: {  	_ = 	snop  }
0x2a3: {  	[tilespmem:s3], [sflag:$0x2] =	stream.indirect.gather.add.f32 [hbm:s6], $0x10, s29, s7, $0xb8;
	[tilespmem:$0x2100] =	vst v63  }
0x2a4: {  	_ = 	snop  }
0x2a5: {  	[tilespmem:s3], [sflag:$0x2] =	stream.indirect.gather.add.f32 [hbm:s6], $0x10, s30, s7, $0xb8;
	[tilespmem:$0x2100] =	vst v63  }
0x2a6: {  	_ = 	snop  }
0x2a7: {  	[tilespmem:s3], [sflag:$0x2] =	stream.indirect.gather.add.f32 [hbm:s6], $0x10, s8, s7, $0xb8;
	[tilespmem:$0x2100] =	vst v63  }
0x2a8: {  	_ =	swait.ge [sflag:s4], $0x800  }
0x2a9: {  	[sflag:s4] =	ssyncset.done $0x0  }
0x2aa: {  	[sflag:s4] =	ssyncadd.s32 $0xFFFFF800  }
0x2ab: {  	_ =	swait.ge [sflag:s4], $0x800  }
0x2ac: {  	[sflag:s4] =	ssyncset.done $0x0  }
0x2ad: {  	[sflag:s4] =	ssyncadd.s32 $0xFFFFF800  }
0x2ae: {  	_ =	swait.ge [sflag:s4], $0x800  }
0x2af: {  	[sflag:s4] =	ssyncset.done $0x0  }
0x2b0: {  	[sflag:s4] =	ssyncadd.s32 $0xFFFFF800  }
0x2b1: {  	_ =	swait.ge [sflag:s4], $0x800  }
0x2b2: {  	[sflag:s4] =	ssyncset.done $0x0  }
0x2b3: {  	[sflag:s4] =	ssyncadd.s32 $0xFFFFF800  }
0x2b4: {  	_ =	swait.ge [sflag:s4], $0x800  }
0x2b5: {  	[sflag:s4] =	ssyncset.done $0x0  }
0x2b6: {  	[sflag:s4] =	ssyncadd.s32 $0xFFFFF800  }
0x2b7: {  	_ =	swait.ge [sflag:s4], $0x800  }
0x2b8: {  	[sflag:s4] =	ssyncset.done $0x0  }
0x2b9: {  	[sflag:s4] =	ssyncadd.s32 $0xFFFFF800  }
0x2ba: {  	_ =	swait.ge [sflag:s4], $0x800  }
0x2bb: {  	[sflag:s4] =	ssyncset.done $0x0  }
0x2bc: {  	[sflag:s4] =	ssyncadd.s32 $0xFFFFF800  }
0x2bd: {  	_ =	swait.ge [sflag:s4], $0x800  }
0x2be: {  	[sflag:s4] =	ssyncset.done $0x0  }
0x2bf: {  	[sflag:s4] =	ssyncadd.s32 $0xFFFFF800  }
0x2c0: {  	_ =	swait.ge [sflag:s4], $0x800  }
0x2c1: {  	[sflag:s4] =	ssyncset.done $0x0  }
0x2c2: {  	[sflag:s4] =	ssyncadd.s32 $0xFFFFF800  }
0x2c3: {  	_ =	swait.ge [sflag:s4], $0x800  }
0x2c4: {  	[sflag:s4] =	ssyncset.done $0x0  }
0x2c5: {  	[sflag:s4] =	ssyncadd.s32 $0xFFFFF800  }
0x2c6: {  	_ =	swait.ge [sflag:s4], $0x800  }
0x2c7: {  	[sflag:s4] =	ssyncset.done $0x0  }
0x2c8: {  	[sflag:s4] =	ssyncadd.s32 $0xFFFFF800  }
0x2c9: {  	_ =	swait.ge [sflag:s4], $0x800  }
0x2ca: {  	[sflag:s4] =	ssyncset.done $0x0  }
0x2cb: {  	[sflag:s4] =	ssyncadd.s32 $0xFFFFF800  }
0x2cc: {  	_ =	swait.ge [sflag:s4], $0x800  }
0x2cd: {  	[sflag:s4] =	ssyncset.done $0x0  }
0x2ce: {  	[sflag:s4] =	ssyncadd.s32 $0xFFFFF800  }
0x2cf: {  	_ =	swait.ge [sflag:s4], $0x800  }
0x2d0: {  	[sflag:s4] =	ssyncset.done $0x0  }
0x2d1: {  	[sflag:s4] =	ssyncadd.s32 $0xFFFFF800  }
0x2d2: {  	_ =	swait.ge [sflag:s4], $0x800  }
0x2d3: {  	[sflag:s4] =	ssyncset.done $0x0  }
0x2d4: {  	[sflag:s4] =	ssyncadd.s32 $0xFFFFF800  }
0x2d5: {  	_ =	swait.ge [sflag:s4], $0x800  }
0x2d6: {  	[sflag:s4] =	ssyncset.done $0x0  }
0x2d7: {  	[sflag:s4] =	ssyncadd.s32 $0xFFFFF800  }
0x2d8: {  	_ =	swait.ge [sflag:s4], $0x800  }
0x2d9: {  	[sflag:s4] =	ssyncset.done $0x0  }
0x2da: {  	[sflag:s4] =	ssyncadd.s32 $0xFFFFF800  }
0x2db: {  	_ =	swait.ge [sflag:s4], $0x800  }
0x2dc: {  	[sflag:s4] =	ssyncset.done $0x0  }
0x2dd: {  	[sflag:s4] =	ssyncadd.s32 $0xFFFFF800  }
0x2de: {  	_ =	swait.ge [sflag:s4], $0x800  }
0x2df: {  	[sflag:s4] =	ssyncset.done $0x0  }
0x2e0: {  	[sflag:s4] =	ssyncadd.s32 $0xFFFFF800  }
0x2e1: {  	_ =	swait.ge [sflag:s4], $0x800  }
0x2e2: {  	[sflag:s4] =	ssyncset.done $0x0  }
0x2e3: {  	[sflag:s4] =	ssyncadd.s32 $0xFFFFF800  }
0x2e4: {  	_ =	swait.ge [sflag:s4], $0x800  }
0x2e5: {  	[sflag:s4] =	ssyncset.done $0x0  }
0x2e6: {  	[sflag:s4] =	ssyncadd.s32 $0xFFFFF800  }
0x2e7: {  	_ =	swait.ge [sflag:s4], $0x800  }
0x2e8: {  	[sflag:s4] =	ssyncset.done $0x0  }
0x2e9: {  	[sflag:s4] =	ssyncadd.s32 $0xFFFFF800  }
0x2ea: {  	_ =	swait.ge [sflag:s4], $0x800  }
0x2eb: {  	[sflag:s4] =	ssyncset.done $0x0  }
0x2ec: {  	[sflag:s4] =	ssyncadd.s32 $0xFFFFF800  }
0x2ed: {  	_ =	swait.ge [sflag:s4], $0x800  }
0x2ee: {  	[sflag:s4] =	ssyncset.done $0x0  }
0x2ef: {  	[sflag:s4] =	ssyncadd.s32 $0xFFFFF800  }
0x2f0: {  	_ =	swait.ge [sflag:s4], $0x800  }
0x2f1: {  	[sflag:s4] =	ssyncset.done $0x0  }
0x2f2: {  	[sflag:s4] =	ssyncadd.s32 $0xFFFFF800  }
0x2f3: {  	_ =	swait.ge [sflag:s4], $0x800  }
0x2f4: {  	[sflag:s4] =	ssyncset.done $0x0  }
0x2f5: {  	[sflag:s4] =	ssyncadd.s32 $0xFFFFF800  }
0x2f6: {  	_ =	swait.ge [sflag:s4], $0x800  }
0x2f7: {  	[sflag:s4] =	ssyncset.done $0x0  }
0x2f8: {  	[sflag:s4] =	ssyncadd.s32 $0xFFFFF800  }
0x2f9: {  	_ =	swait.ge [sflag:s4], $0x800  }
0x2fa: {  	[sflag:s4] =	ssyncset.done $0x0  }
0x2fb: {  	[sflag:s4] =	ssyncadd.s32 $0xFFFFF800  }
0x2fc: {  	_ =	swait.ge [sflag:s4], $0x800  }
0x2fd: {  	[sflag:s4] =	ssyncset.done $0x0  }
0x2fe: {  	[sflag:s4] =	ssyncadd.s32 $0xFFFFF800  }
0x2ff: {  	_ =	swait.ge [sflag:s4], $0x800  }
0x300: {  	[sflag:s4] =	ssyncset.done $0x0  }
0x301: {  	[sflag:s4] =	ssyncadd.s32 $0xFFFFF800  }
0x302: {  	_ =	swait.ge [sflag:s4], $0x800  }
0x303: {  	[sflag:s4] =	ssyncset.done $0x0  }
0x304: {  	[sflag:s4] =	ssyncadd.s32 $0xFFFFF800  }
0x305: {  	_ =	swait.ge [sflag:s4], $0x800  }
0x306: {  	[sflag:s4] =	ssyncset.done $0x0  }
0x307: {  	[sflag:s4] =	ssyncadd.s32 $0xFFFFF800  }
0x308: {  	_ =	swait.ge [sflag:s4], $0x800  }
0x309: {  	[sflag:s4] =	ssyncset.done $0x0  }
0x30a: {  	[sflag:s4] =	ssyncadd.s32 $0xFFFFF800  }
0x30b: {  	_ =	swait.ge [sflag:s4], $0x800  }
0x30c: {  	[sflag:s4] =	ssyncset.done $0x0  }
0x30d: {  	[sflag:s4] =	ssyncadd.s32 $0xFFFFF800  }
0x30e: {  	_ =	swait.ge [sflag:s4], $0x800  }
0x30f: {  	[sflag:s4] =	ssyncset.done $0x0  }
0x310: {  	[sflag:s4] =	ssyncadd.s32 $0xFFFFF800  }
0x311: {  	_ =	swait.ge [sflag:s4], $0x800  }
0x312: {  	[sflag:s4] =	ssyncset.done $0x0  }
0x313: {  	[sflag:s4] =	ssyncadd.s32 $0xFFFFF800  }
0x314: {  	_ =	swait.ge [sflag:s4], $0x800  }
0x315: {  	[sflag:s4] =	ssyncset.done $0x0  }
0x316: {  	[sflag:s4] =	ssyncadd.s32 $0xFFFFF800  }
0x317: {  	_ =	swait.ge [sflag:s4], $0x800  }
0x318: {  	[sflag:s4] =	ssyncset.done $0x0  }
0x319: {  	[sflag:s4] =	ssyncadd.s32 $0xFFFFF800  }
0x31a: {  	_ =	swait.ge [sflag:s4], $0x800  }
0x31b: {  	[sflag:s4] =	ssyncset.done $0x0  }
0x31c: {  	[sflag:s4] =	ssyncadd.s32 $0xFFFFF800  }
0x31d: {  	_ =	swait.ge [sflag:s4], $0x800  }
0x31e: {  	[sflag:s4] =	ssyncset.done $0x0  }
0x31f: {  	[sflag:s4] =	ssyncadd.s32 $0xFFFFF800  }
0x320: {  	_ =	swait.ge [sflag:s4], $0x800  }
0x321: {  	[sflag:s4] =	ssyncset.done $0x0  }
0x322: {  	[sflag:s4] =	ssyncadd.s32 $0xFFFFF800  }
0x323: {  	_ =	swait.ge [sflag:s4], $0x800  }
0x324: {  	[sflag:s4] =	ssyncset.done $0x0  }
0x325: {  	[sflag:s4] =	ssyncadd.s32 $0xFFFFF800  }
0x326: {  	_ =	swait.ge [sflag:s4], $0x800  }
0x327: {  	[sflag:s4] =	ssyncset.done $0x0  }
0x328: {  	[sflag:s4] =	ssyncadd.s32 $0xFFFFF800  }
0x329: {  	_ =	swait.ge [sflag:s4], $0x800  }
0x32a: {  	[sflag:s4] =	ssyncset.done $0x0  }
0x32b: {  	[sflag:s4] =	ssyncadd.s32 $0xFFFFF800  }
0x32c: {  	_ =	swait.ge [sflag:s4], $0x800  }
0x32d: {  	[sflag:s4] =	ssyncset.done $0x0  }
0x32e: {  	[sflag:s4] =	ssyncadd.s32 $0xFFFFF800  }
0x32f: {  	_ =	swait.ge [sflag:s4], $0x800  }
0x330: {  	[sflag:s4] =	ssyncset.done $0x0  }
0x331: {  	[sflag:s4] =	ssyncadd.s32 $0xFFFFF800  }
0x332: {  	_ =	swait.ge [sflag:s4], $0x800  }
0x333: {  	[sflag:s4] =	ssyncset.done $0x0  }
0x334: {  	[sflag:s4] =	ssyncadd.s32 $0xFFFFF800  }
0x335: {  	_ =	swait.ge [sflag:s4], $0x800  }
0x336: {  	[sflag:s4] =	ssyncset.done $0x0  }
0x337: {  	[sflag:s4] =	ssyncadd.s32 $0xFFFFF800  }
0x338: {  	_ =	swait.ge [sflag:s4], $0x800  }
0x339: {  	[sflag:s4] =	ssyncset.done $0x0  }
0x33a: {  	[sflag:s4] =	ssyncadd.s32 $0xFFFFF800  }
0x33b: {  	_ =	swait.ge [sflag:s4], $0x800  }
0x33c: {  	[sflag:s4] =	ssyncset.done $0x0  }
0x33d: {  	s30 =	rddreg [dreg:$0x5];
	[sflag:s4] =	ssyncadd.s32 $0xFFFFF800  }
0x33e: {  	[hbm4b:s30+s2] =	stream.linear.scatter [tilespmem:s3], [sflag:$0x3], $0x800, $0x38;
	[tilespmem:$0x2100] =	vst v63  }
0x33f: {  	_ =	swait.ge [sflag:s5], $0x800  }
0x340: {  	[sflag:s5] =	ssyncset.done $0x0  }
0x341: {  	[sflag:s5] =	ssyncadd.s32 $0xFFFFF800  }
0x342: {  	_ =	sfence.sel $0x180000  }
0x343: {  	[bflag:$0x0] =	sbarrier.arrive $0xFFFF  }
0x344: {  	_ =	strace $0x90000047  }
0x345: {  	s31 =	stileid.u32;
	[bflag:$0x2] =	sbarrier.arrive $0xFFFF  }
0x346: {  	p0 =	sne.s32 s31, $0x0;
	s0 =	rddreg [dreg:$0x2]  }
0x347: {  	s0 =	sadd.s32 @!p0 $0x100000, s0  }
0x348: {  	[sflag:s0] =	ssyncadd.tile.s32 @!p0 $0x1;
	_ =	shalt  }
.LBB2_1:
0x349: {  	s8 =	simm.s32 $0x1880;
	s30 =	simm.s32 $0x1800  }
0x34a: {  	s29 =	simm.s32 $0x1780;
	s28 =	simm.s32 $0x1700;
	s26 =	simm.s32 $0x1680  }
0x34b: {  	s25 =	simm.s32 $0x1600;
	s24 =	simm.s32 $0x1580;
	s23 =	simm.s32 $0x1500  }
.Ltmp3:
0x34c: {  	s22 =	simm.s32 $0x1480;
	s21 =	simm.s32 $0x1400;
	(pc) =	sbr.rel .LBB2_6-.Ltmp3, $4  }
0x34d: {  	s20 =	simm.s32 $0x1380;
	s19 =	simm.s32 $0x1300;
	s18 =	simm.s32 $0x1280  }
0x34e: {  	s17 =	simm.s32 $0x1200;
	s16 =	simm.s32 $0x1180;
	s15 =	simm.s32 $0x1100  }
0x34f: {  	s14 =	simm.s32 $0x1080;
	s13 =	simm.s32 $0x1000;
	s12 =	simm.s32 $0xF80  }
0x350: {  	s11 =	simm.s32 $0xF00;
	s10 =	simm.s32 $0xE80;
	s9 =	simm.s32 $0xE00  }
.LBB2_3:
0x351: {  	s8 =	simm.s32 $0x1880;
	s30 =	simm.s32 $0x1800  }
0x352: {  	s29 =	simm.s32 $0x1780;
	s28 =	simm.s32 $0x1700;
	s26 =	simm.s32 $0x1680  }
0x353: {  	s25 =	simm.s32 $0x1600;
	s24 =	simm.s32 $0x1580;
	s23 =	simm.s32 $0x1500  }
.Ltmp4:
0x354: {  	s22 =	simm.s32 $0x1480;
	s21 =	simm.s32 $0x1400;
	(pc) =	sbr.rel .LBB2_6-.Ltmp4, $4  }
0x355: {  	s20 =	simm.s32 $0x1380;
	s19 =	simm.s32 $0x1300;
	s18 =	simm.s32 $0x1280  }
0x356: {  	s17 =	simm.s32 $0x1200;
	s16 =	simm.s32 $0x1180;
	s15 =	simm.s32 $0x1100  }
0x357: {  	s14 =	simm.s32 $0x1080;
	s13 =	simm.s32 $0x1000;
	s12 =	simm.s32 $0xF80  }
0x358: {  	s11 =	simm.s32 $0xF00;
	s10 =	simm.s32 $0xE80;
	s9 =	simm.s32 $0xE00  }
.Lfunc_end2:
_tile_overlayer_lowered:
.L_overlay_start_2:
0x359: {  	(tag) =	ssettag $0x2  }
0x35a: {  	s0 =	rddreg [dreg:$0x0];
	s2 =	stileid.u32  }
0x35b: {  	s1 =	rddreg [dreg:$0x1];
	p0 =	sne.s32 s2, $0x0  }
0x35c: {  	s3 =	rddreg [dreg:$0x2];
	[bflag:$0x3] =	sbarrier.arrive $0xFFFF;
	s2 =	simm.s32 @!p0 $0x1C03  }
0x35d: {  	[timem:s3], [sflag:s2] =	dma.local @!p0 [hbm:s0], s1  }
0x35e: {  	s0 =	simm.s32 @!p0 $0x3  }
0x35f: {  	_ =	swait.ge @!p0 [sflag:s0], s1  }
0x360: {  	s1 =	ssub.s32 @!p0 $0x0, s1;
	[sflag:s0] =	ssyncset.done @!p0 $0x0  }
0x361: {  	[sflag:s0] =	ssyncadd.s32 @!p0 s1  }
0x362: {  	[bflag:$0x3] =	sbarrier.arrive $0xFFFF  }
0x363: {  	_ =	shalt  }

</sc_bundles>
